<compile_context>
chip_gen: v7x
topology: tpu7x:2x2x1
jax: 0.10.2.dev20260603
libtpu: 0.0.44.dev20260713+nightly
codegen_flags: <defaults>
</compile_context>

<pallas_src>
import functools

import jax
import jax.numpy as jnp
from jax import lax
from jax.experimental import pallas as pl
from jax.experimental.pallas import tpu as pltpu
from jax.experimental.pallas import tpu_sc as plsc

L = 16
NC = 2
NS = 16
N_BOX = 20
B_STRIDE = 128


def _make_sc_call(H, W, scale):
    rows_per = H // NS
    rch = H // L
    cch = W // L
    mesh = plsc.VectorSubcoreMesh(core_axis_name="c", subcore_axis_name="s")

    @functools.partial(
        pl.kernel,
        out_type=(
            jax.ShapeDtypeStruct((1, 1, H, W), jnp.float32),
            jax.ShapeDtypeStruct((1, 1, H, W), jnp.float32),
            jax.ShapeDtypeStruct((1,), jnp.float32),
            jax.ShapeDtypeStruct((1,), jnp.float32),
        ),
        mesh=mesh,
        compiler_params=pltpu.CompilerParams(needs_layout_passes=False),
        scratch_types=[
            pltpu.VMEM((2 * B_STRIDE,), jnp.float32),
            pltpu.VMEM((max(rch, cch) * L,), jnp.int32),
            pltpu.VMEM((H + L,), jnp.float32),
            pltpu.VMEM((W,), jnp.float32),
            pltpu.VMEM((rows_per, W), jnp.float32),
            pltpu.VMEM((L,), jnp.float32),
            pltpu.SemaphoreType.DMA,
        ],
    )
    def sc_body(bp_hbm, bc_hbm,
                mask_pre_hbm, mask_cur_hbm, norms_pre_hbm, norms_cur_hbm,
                b_v, diff_v, rowm_v, colm_v, out_v, norms_v, sem):
        br = lax.axis_index("c")
        sid = lax.axis_index("s")
        rbase = sid * rows_per

        cp0 = pltpu.async_copy(bp_hbm, b_v.at[pl.ds(0, 5 * N_BOX)], sem)
        cp1 = pltpu.async_copy(bc_hbm, b_v.at[pl.ds(B_STRIDE, 5 * N_BOX)], sem)
        cp0.wait()
        cp1.wait()

        b_off = br * B_STRIDE
        iota = lax.iota(jnp.int32, L)
        i5 = iota * 5

        def build(lo_f, hi_f, n_chunks, dst_v):
            zero = jnp.zeros((L,), jnp.int32)
            for c in range(n_chunks):
                diff_v[pl.ds(c * L, L)] = zero
            for h in range((N_BOX + L - 1) // L):
                base = b_off + h * 5 * L
                lane_ok = iota < (N_BOX - h * L)
                idx_lim = 2 * B_STRIDE - 1
                lo_i = jnp.minimum(i5 + (base + lo_f), idx_lim)
                hi_i = jnp.minimum(i5 + (base + hi_f), idx_lim)
                lab_i = jnp.minimum(i5 + (base + 4), idx_lim)
                lo = plsc.load_gather(b_v, [lo_i])
                hi = plsc.load_gather(b_v, [hi_i])
                lab = plsc.load_gather(b_v, [lab_i])
                cnd = jnp.where((lab != 0.0) & lane_ok,
                                jnp.int32(1), jnp.int32(0))
                loi = jnp.clip((lo * scale).astype(jnp.int32),
                               0, n_chunks * L - 1)
                hii = jnp.clip((hi * scale).astype(jnp.int32),
                               0, n_chunks * L - 1)
                plsc.addupdate_scatter(diff_v, [loi], cnd)
                plsc.addupdate_scatter(diff_v, [hii], -cnd)
            carry = zero
            total = zero
            for c in range(n_chunks):
                sl = pl.ds(c * L, L)
                dv = diff_v[sl]
                cs = plsc.cumsum(dv) + carry
                mi = cs > 0
                dst_v[sl] = mi.astype(jnp.float32)
                carry = carry + jnp.broadcast_to(jnp.sum(dv), (L,))
                total = total + mi.astype(jnp.int32)
            return total

        rtot = build(1, 3, rch, rowm_v)
        ctot = build(0, 2, cch, colm_v)

        prod = (jnp.broadcast_to(jnp.sum(rtot), (L,))
                * jnp.broadcast_to(jnp.sum(ctot), (L,)) * 2)
        norms_v[pl.ds(0, L)] = jnp.where(
            prod > 0, prod.astype(jnp.float32), jnp.float32(1.0))

        zrow = jnp.zeros((L,), jnp.float32)
        myrows = rowm_v[pl.ds(rbase, L)]
        ons = [myrows[rr] > 0.0 for rr in range(rows_per)]

        for c in range(cch):
            sl = pl.ds(c * L, L)
            vec = colm_v[sl]
            for rr in range(rows_per):
                out_v[rr, sl] = jnp.where(ons[rr], vec, zrow)

        @pl.when(br == 0)
        def _():
            pltpu.sync_copy(out_v,
                            mask_pre_hbm.at[0, 0, pl.ds(rbase, rows_per)])

            @pl.when(sid == 0)
            def _():
                pltpu.sync_copy(norms_v.at[pl.ds(0, 1)], norms_pre_hbm)

        @pl.when(br == 1)
        def _():
            pltpu.sync_copy(out_v,
                            mask_cur_hbm.at[0, 0, pl.ds(rbase, rows_per)])

            @pl.when(sid == 0)
            def _():
                pltpu.sync_copy(norms_v.at[pl.ds(0, 1)], norms_cur_hbm)

    return sc_body


def kernel(im_data, feature, gt_boxes_pre, num_boxes_pre, gt_boxes_cur,
           num_boxes_cur):
    H, W = feature.shape[2], feature.shape[3]
    H_img = im_data.shape[2]
    scale = float(H) / float(H_img)
    gp = (num_boxes_pre[0] > 0).astype(jnp.float32)
    gc = (num_boxes_cur[0] > 0).astype(jnp.float32)
    bp = (gt_boxes_pre * gp).reshape(-1)
    bc = (gt_boxes_cur * gc).reshape(-1)
    mask_pre, mask_cur, norms_pre, norms_cur = _make_sc_call(H, W, scale)(
        bp, bc)
    return (mask_pre, norms_pre.reshape(()), mask_cur, norms_cur.reshape(()))

# --- scband reference (transcript-rebuilt; emitter-appended) ---
"""Pipeline reference for scband-mask-gen-5325759447236 (READ-ONLY COPY).

The authoritative reference and input builder live on the scoring server;
editing this copy changes nothing except your own understanding.
"""

import jax, jax.numpy as jnp
import numpy as np


def _make_boxes(key, n, H_img, W_img):
    r = jax.random.uniform(key, (n, 4))
    x1 = jnp.minimum(r[:, 0], r[:, 2]) * (W_img - 2)
    x2 = jnp.maximum(r[:, 0], r[:, 2]) * (W_img - 2) + 1.0
    y1 = jnp.minimum(r[:, 1], r[:, 3]) * (H_img - 2)
    y2 = jnp.maximum(r[:, 1], r[:, 3]) * (H_img - 2) + 1.0
    lab = jnp.ones((n,), jnp.float32)
    return jnp.stack([x1, y1, x2, y2, lab], axis=1)[None]


def setup_inputs(seed: int = 0) -> dict:
    key = jax.random.key(seed)
    im_data = jax.random.normal(jax.random.fold_in(key, 1), (1, 3, 512, 512), jnp.float32)
    feature = jax.random.normal(jax.random.fold_in(key, 2), (1, 96, 128, 128), jnp.float32)
    gt_boxes_pre = _make_boxes(jax.random.fold_in(key, 3), 20, 512, 512)
    gt_boxes_cur = _make_boxes(jax.random.fold_in(key, 4), 20, 512, 512)
    num_boxes_pre = jnp.array([20], jnp.int32)
    num_boxes_cur = jnp.array([20], jnp.int32)
    return {"im_data": im_data, "feature": feature, "gt_boxes_pre": gt_boxes_pre,
            "num_boxes_pre": num_boxes_pre, "gt_boxes_cur": gt_boxes_cur,
            "num_boxes_cur": num_boxes_cur}


def _mask_branch(boxes, H, W, H_img):
    # boxes: [N, 5] concrete float array
    mask_x = jnp.zeros((H, W), jnp.int32)
    mask_y = jnp.zeros((H, W), jnp.int32)
    mask_image = jnp.zeros((H, W), jnp.int32)
    spatial_scale = float(H) / float(H_img)
    bb = boxes
    rows = jnp.arange(H)
    cols = jnp.arange(W)
    for i in range(bb.shape[0]):
        cond = bb[i, -1] != 0
        x1 = jnp.trunc(bb[i, 0] * spatial_scale).astype(jnp.int32)
        y1 = jnp.trunc(bb[i, 1] * spatial_scale).astype(jnp.int32)
        x2 = jnp.trunc(bb[i, 2] * spatial_scale).astype(jnp.int32)
        y2 = jnp.trunc(bb[i, 3] * spatial_scale).astype(jnp.int32)
        upd_y = ((rows >= y1) & (rows < y2)).astype(jnp.int32)[:, None]
        upd_x = ((cols >= x1) & (cols < x2)).astype(jnp.int32)[None, :]
        mask_y = jnp.where(cond, jnp.maximum(mask_y, jnp.broadcast_to(upd_y, (H, W))), mask_y)
        mask_x = jnp.where(cond, jnp.maximum(mask_x, jnp.broadcast_to(upd_x, (H, W))), mask_x)
        mask = (mask_x + mask_y) > 1
        mask_image = jnp.where(cond, mask_image + mask.astype(jnp.int32), mask_image)
    mask_b = (mask_image > 0).astype(jnp.float32)[None, None]
    norms = (mask_b.sum() * 2.0).astype(jnp.float32)
    norms = jnp.where(norms == 0, jnp.float32(1.0), norms).astype(jnp.float32)
    return mask_b, norms


def reference(im_data, feature, gt_boxes_pre, num_boxes_pre, gt_boxes_cur, num_boxes_cur):
    H, W = feature.shape[2], feature.shape[3]
    H_img = im_data.shape[2]
    zeros_mask = jnp.zeros((1, 1, H, W), jnp.float32)
    mask_pre_full, norms_pre_full = _mask_branch(gt_boxes_pre[0], H, W, H_img)
    cond_pre = num_boxes_pre[0] > 0
    mask_batch_pre = jnp.where(cond_pre, mask_pre_full, zeros_mask)
    norms_pre = jnp.where(cond_pre, norms_pre_full, jnp.float32(1.0)).astype(jnp.float32)
    mask_cur_full, norms_cur_full = _mask_branch(gt_boxes_cur[0], H, W, H_img)
    cond_cur = num_boxes_cur[0] > 0
    mask_batch_cur = jnp.where(cond_cur, mask_cur_full, zeros_mask)
    norms_cur = jnp.where(cond_cur, norms_cur_full, jnp.float32(1.0)).astype(jnp.float32)
    return (mask_batch_pre, norms_pre, mask_batch_cur, norms_cur)

if __name__ == "__main__":
    import jax
    _d = setup_inputs()
    print(jax.jit(kernel)(*tuple(_d.values())))

</pallas_src>

<mosaic_0001>
#map = affine_map<(d0, d1) -> (0)>
#map1 = affine_map<(d0, d1) -> (0, 0, 0, 0)>
module attributes {stable_mosaic.version = 14 : i64} {
  func.func @sc_body(%arg0: i32, %arg1: i32, %arg2: memref<100xf32, #tpu.memory_space<hbm>>, %arg3: memref<100xf32, #tpu.memory_space<hbm>>, %arg4: memref<1x1x128x128xf32, #tpu.memory_space<hbm>>, %arg5: memref<1x1x128x128xf32, #tpu.memory_space<hbm>>, %arg6: memref<1xf32, #tpu.memory_space<hbm>>, %arg7: memref<1xf32, #tpu.memory_space<hbm>>, %arg8: memref<256xf32, #tpu.memory_space<vmem>>, %arg9: memref<128xi32, #tpu.memory_space<vmem>>, %arg10: memref<144xf32, #tpu.memory_space<vmem>>, %arg11: memref<128xf32, #tpu.memory_space<vmem>>, %arg12: memref<8x128xf32, #tpu.memory_space<vmem>>, %arg13: memref<16xf32, #tpu.memory_space<vmem>>, %arg14: memref<!tpu.dma_semaphore, #tpu.memory_space<semaphore_mem>>) attributes {dimension_semantics = [#tpu.dimension_semantics<core_parallel>, #tpu.dimension_semantics<subcore_parallel>], iteration_bounds = array<i64: 2, 16>, scalar_prefetch = 0 : i64, scratch_operands = 7 : i64, tpu.core_type = #tpu.core_type<sc_vector_subcore>, window_params = [{transform_indices = #map}, {transform_indices = #map}, {transform_indices = #map1}, {transform_indices = #map1}, {transform_indices = #map}, {transform_indices = #map}]} {
    %mul3A = arith.constant 8 : i32
    %mul3A_0 = arith.muli %arg1, %mul3A : i32
    %dma_start3A = arith.constant 0 : i32
    %dma_start3A_1 = tpu.memref_slice %arg8[%dma_start3A] : memref<256xf32, #tpu.memory_space<vmem>> -> memref<100xf32, #tpu.memory_space<vmem>>
    %dma_start3A_2 = arith.constant 0 : i32
    %dma_start3A_3 = tpu.memref_slice %arg8[%dma_start3A_2] : memref<256xf32, #tpu.memory_space<vmem>> -> memref<100xf32, #tpu.memory_space<vmem>>
    tpu.enqueue_dma source(%arg2 : memref<100xf32, #tpu.memory_space<hbm>>) target(%dma_start3A_3 : memref<100xf32, #tpu.memory_space<vmem>>) target_semaphore(%arg14 : memref<!tpu.dma_semaphore, #tpu.memory_space<semaphore_mem>>)
    %dma_start3A_4 = arith.constant 128 : i32
    %dma_start3A_5 = tpu.memref_slice %arg8[%dma_start3A_4] : memref<256xf32, #tpu.memory_space<vmem>> -> memref<100xf32, #tpu.memory_space<vmem>>
    %dma_start3A_6 = arith.constant 128 : i32
    %dma_start3A_7 = tpu.memref_slice %arg8[%dma_start3A_6] : memref<256xf32, #tpu.memory_space<vmem>> -> memref<100xf32, #tpu.memory_space<vmem>>
    tpu.enqueue_dma source(%arg3 : memref<100xf32, #tpu.memory_space<hbm>>) target(%dma_start3A_7 : memref<100xf32, #tpu.memory_space<vmem>>) target_semaphore(%arg14 : memref<!tpu.dma_semaphore, #tpu.memory_space<semaphore_mem>>)
    %dma_wait3A = arith.constant 0 : i32
    %dma_wait3A_8 = tpu.memref_slice %arg8[%dma_wait3A] : memref<256xf32, #tpu.memory_space<vmem>> -> memref<100xf32, #tpu.memory_space<vmem>>
    %dma_wait3A_9 = arith.constant 0 : i32
    %dma_wait3A_10 = tpu.memref_slice %arg8[%dma_wait3A_9] : memref<256xf32, #tpu.memory_space<vmem>> -> memref<100xf32, #tpu.memory_space<vmem>>
    tpu.wait_dma2 semaphore(%arg14 : memref<!tpu.dma_semaphore, #tpu.memory_space<semaphore_mem>>) src(%arg2 : memref<100xf32, #tpu.memory_space<hbm>>) dst(%dma_wait3A_10 : memref<100xf32, #tpu.memory_space<vmem>>)
    %dma_wait3A_11 = arith.constant 128 : i32
    %dma_wait3A_12 = tpu.memref_slice %arg8[%dma_wait3A_11] : memref<256xf32, #tpu.memory_space<vmem>> -> memref<100xf32, #tpu.memory_space<vmem>>
    %dma_wait3A_13 = arith.constant 128 : i32
    %dma_wait3A_14 = tpu.memref_slice %arg8[%dma_wait3A_13] : memref<256xf32, #tpu.memory_space<vmem>> -> memref<100xf32, #tpu.memory_space<vmem>>
    tpu.wait_dma2 semaphore(%arg14 : memref<!tpu.dma_semaphore, #tpu.memory_space<semaphore_mem>>) src(%arg3 : memref<100xf32, #tpu.memory_space<hbm>>) dst(%dma_wait3A_14 : memref<100xf32, #tpu.memory_space<vmem>>)
    %mul3A_15 = arith.constant 128 : i32
    %mul3A_16 = arith.muli %arg0, %mul3A_15 : i32
    %iota3A = tpu.iota {dimensions = array<i32: 0>} : vector<16xi32>
    %mul3A_17 = arith.constant 5 : i32
    %mul3A_18 = vector.broadcast %mul3A_17 : i32 to vector<16xi32>
    %mul3A_19 = arith.muli %iota3A, %mul3A_18 : vector<16xi32>
    %broadcast_in_dim3A = arith.constant 0 : i32
    %broadcast_in_dim3A_20 = vector.broadcast %broadcast_in_dim3A : i32 to vector<16xi32>
    %swap3A = arith.constant 0 : index
    %swap3A_21 = tpu.vector_load %arg9[%swap3A] {strides = array<i32>} : memref<128xi32, #tpu.memory_space<vmem>>, vector<16xi32>,
    tpu.vector_store %arg9[%swap3A], %broadcast_in_dim3A_20 {strides = array<i32>} : memref<128xi32, #tpu.memory_space<vmem>>, vector<16xi32>,
    %swap3A_22 = arith.constant 16 : index
    %swap3A_23 = tpu.vector_load %arg9[%swap3A_22] {strides = array<i32>} : memref<128xi32, #tpu.memory_space<vmem>>, vector<16xi32>,
    tpu.vector_store %arg9[%swap3A_22], %broadcast_in_dim3A_20 {strides = array<i32>} : memref<128xi32, #tpu.memory_space<vmem>>, vector<16xi32>,
    %swap3A_24 = arith.constant 32 : index
    %swap3A_25 = tpu.vector_load %arg9[%swap3A_24] {strides = array<i32>} : memref<128xi32, #tpu.memory_space<vmem>>, vector<16xi32>,
    tpu.vector_store %arg9[%swap3A_24], %broadcast_in_dim3A_20 {strides = array<i32>} : memref<128xi32, #tpu.memory_space<vmem>>, vector<16xi32>,
    %swap3A_26 = arith.constant 48 : index
    %swap3A_27 = tpu.vector_load %arg9[%swap3A_26] {strides = array<i32>} : memref<128xi32, #tpu.memory_space<vmem>>, vector<16xi32>,
    tpu.vector_store %arg9[%swap3A_26], %broadcast_in_dim3A_20 {strides = array<i32>} : memref<128xi32, #tpu.memory_space<vmem>>, vector<16xi32>,
    %swap3A_28 = arith.constant 64 : index
    %swap3A_29 = tpu.vector_load %arg9[%swap3A_28] {strides = array<i32>} : memref<128xi32, #tpu.memory_space<vmem>>, vector<16xi32>,
    tpu.vector_store %arg9[%swap3A_28], %broadcast_in_dim3A_20 {strides = array<i32>} : memref<128xi32, #tpu.memory_space<vmem>>, vector<16xi32>,
    %swap3A_30 = arith.constant 80 : index
    %swap3A_31 = tpu.vector_load %arg9[%swap3A_30] {strides = array<i32>} : memref<128xi32, #tpu.memory_space<vmem>>, vector<16xi32>,
    tpu.vector_store %arg9[%swap3A_30], %broadcast_in_dim3A_20 {strides = array<i32>} : memref<128xi32, #tpu.memory_space<vmem>>, vector<16xi32>,
    %swap3A_32 = arith.constant 96 : index
    %swap3A_33 = tpu.vector_load %arg9[%swap3A_32] {strides = array<i32>} : memref<128xi32, #tpu.memory_space<vmem>>, vector<16xi32>,
    tpu.vector_store %arg9[%swap3A_32], %broadcast_in_dim3A_20 {strides = array<i32>} : memref<128xi32, #tpu.memory_space<vmem>>, vector<16xi32>,
    %swap3A_34 = arith.constant 112 : index
    %swap3A_35 = tpu.vector_load %arg9[%swap3A_34] {strides = array<i32>} : memref<128xi32, #tpu.memory_space<vmem>>, vector<16xi32>,
    tpu.vector_store %arg9[%swap3A_34], %broadcast_in_dim3A_20 {strides = array<i32>} : memref<128xi32, #tpu.memory_space<vmem>>, vector<16xi32>,
    %add3A = arith.constant 0 : i32
    %add3A_36 = arith.addi %mul3A_16, %add3A : i32
    %lt3A = arith.constant 20 : i32
    %lt3A_37 = vector.broadcast %lt3A : i32 to vector<16xi32>
    %lt3A_38 = arith.cmpi slt, %iota3A, %lt3A_37 : vector<16xi32>
    %add3A_39 = arith.constant 1 : i32
    %add3A_40 = arith.addi %add3A_36, %add3A_39 : i32
    %add3A_41 = vector.broadcast %add3A_40 : i32 to vector<16xi32>
    %add3A_42 = arith.addi %mul3A_19, %add3A_41 : vector<16xi32>
    %min3A = arith.constant 255 : i32
    %min3A_43 = vector.broadcast %min3A : i32 to vector<16xi32>
    %min3A_44 = arith.minsi %add3A_42, %min3A_43 : vector<16xi32>
    %add3A_45 = arith.constant 3 : i32
    %add3A_46 = arith.addi %add3A_36, %add3A_45 : i32
    %add3A_47 = vector.broadcast %add3A_46 : i32 to vector<16xi32>
    %add3A_48 = arith.addi %mul3A_19, %add3A_47 : vector<16xi32>
    %min3A_49 = arith.constant 255 : i32
    %min3A_50 = vector.broadcast %min3A_49 : i32 to vector<16xi32>
    %min3A_51 = arith.minsi %add3A_48, %min3A_50 : vector<16xi32>
    %add3A_52 = arith.constant 4 : i32
    %add3A_53 = arith.addi %add3A_36, %add3A_52 : i32
    %add3A_54 = vector.broadcast %add3A_53 : i32 to vector<16xi32>
    %add3A_55 = arith.addi %mul3A_19, %add3A_54 : vector<16xi32>
    %min3A_56 = arith.constant 255 : i32
    %min3A_57 = vector.broadcast %min3A_56 : i32 to vector<16xi32>
    %min3A_58 = arith.minsi %add3A_55, %min3A_57 : vector<16xi32>
    %gather3A = tpu.vector_load_idx %arg8[%min3A_44] : memref<256xf32, #tpu.memory_space<vmem>>[vector<16xi32>], vector<16xf32>,
    %gather3A_59 = tpu.vector_load_idx %arg8[%min3A_51] : memref<256xf32, #tpu.memory_space<vmem>>[vector<16xi32>], vector<16xf32>,
    %gather3A_60 = tpu.vector_load_idx %arg8[%min3A_58] : memref<256xf32, #tpu.memory_space<vmem>>[vector<16xi32>], vector<16xf32>,
    %ne3A = arith.constant 0.000000e+00 : f32
    %ne3A_61 = vector.broadcast %ne3A : f32 to vector<16xf32>
    %ne3A_62 = arith.cmpf one, %gather3A_60, %ne3A_61 : vector<16xf32>
    %and3A = arith.andi %ne3A_62, %lt3A_38 : vector<16xi1>
    %jit3A = arith.constant 1 : i32
    %jit3A_63 = arith.constant 0 : i32
    %broadcast_in_dim3A_64 = vector.broadcast %jit3A : i32 to vector<16xi32>
    %broadcast_in_dim3A_65 = vector.broadcast %jit3A_63 : i32 to vector<16xi32>
    %select_n3A = arith.select %and3A, %broadcast_in_dim3A_64, %broadcast_in_dim3A_65 : vector<16xi1>, vector<16xi32>
    %mul3A_66 = arith.constant 2.500000e-01 : f32
    %mul3A_67 = vector.broadcast %mul3A_66 : f32 to vector<16xf32>
    %mul3A_68 = arith.mulf %gather3A, %mul3A_67 : vector<16xf32>
    %convert_element_type3A = arith.fptosi %mul3A_68 : vector<16xf32> to vector<16xi32>
    %jit3A_69 = arith.constant 0 : i32
    %jit3A_70 = arith.constant 127 : i32
    %max3A = vector.broadcast %jit3A_69 : i32 to vector<16xi32>
    %max3A_71 = arith.maxsi %max3A, %convert_element_type3A : vector<16xi32>
    %min3A_72 = vector.broadcast %jit3A_70 : i32 to vector<16xi32>
    %min3A_73 = arith.minsi %min3A_72, %max3A_71 : vector<16xi32>
    %mul3A_74 = arith.constant 2.500000e-01 : f32
    %mul3A_75 = vector.broadcast %mul3A_74 : f32 to vector<16xf32>
    %mul3A_76 = arith.mulf %gather3A_59, %mul3A_75 : vector<16xf32>
    %convert_element_type3A_77 = arith.fptosi %mul3A_76 : vector<16xf32> to vector<16xi32>
    %jit3A_78 = arith.constant 0 : i32
    %jit3A_79 = arith.constant 127 : i32
    %max3A_80 = vector.broadcast %jit3A_78 : i32 to vector<16xi32>
    %max3A_81 = arith.maxsi %max3A_80, %convert_element_type3A_77 : vector<16xi32>
    %min3A_82 = vector.broadcast %jit3A_79 : i32 to vector<16xi32>
    %min3A_83 = arith.minsi %min3A_82, %max3A_81 : vector<16xi32>
    tpu.vector_store_idx %arg9[%min3A_73], %select_n3A {add = true} : memref<128xi32, #tpu.memory_space<vmem>>[vector<16xi32>], vector<16xi32>,
    %neg3A = arith.constant 0 : i32
    %neg3A_84 = vector.broadcast %neg3A : i32 to vector<16xi32>
    %neg3A_85 = arith.subi %neg3A_84, %select_n3A : vector<16xi32>
    tpu.vector_store_idx %arg9[%min3A_83], %neg3A_85 {add = true} : memref<128xi32, #tpu.memory_space<vmem>>[vector<16xi32>], vector<16xi32>,
    %add3A_86 = arith.constant 80 : i32
    %add3A_87 = arith.addi %mul3A_16, %add3A_86 : i32
    %lt3A_88 = arith.constant 4 : i32
    %lt3A_89 = vector.broadcast %lt3A_88 : i32 to vector<16xi32>
    %lt3A_90 = arith.cmpi slt, %iota3A, %lt3A_89 : vector<16xi32>
    %add3A_91 = arith.constant 1 : i32
    %add3A_92 = arith.addi %add3A_87, %add3A_91 : i32
    %add3A_93 = vector.broadcast %add3A_92 : i32 to vector<16xi32>
    %add3A_94 = arith.addi %mul3A_19, %add3A_93 : vector<16xi32>
    %min3A_95 = arith.constant 255 : i32
    %min3A_96 = vector.broadcast %min3A_95 : i32 to vector<16xi32>
    %min3A_97 = arith.minsi %add3A_94, %min3A_96 : vector<16xi32>
    %add3A_98 = arith.constant 3 : i32
    %add3A_99 = arith.addi %add3A_87, %add3A_98 : i32
    %add3A_100 = vector.broadcast %add3A_99 : i32 to vector<16xi32>
    %add3A_101 = arith.addi %mul3A_19, %add3A_100 : vector<16xi32>
    %min3A_102 = arith.constant 255 : i32
    %min3A_103 = vector.broadcast %min3A_102 : i32 to vector<16xi32>
    %min3A_104 = arith.minsi %add3A_101, %min3A_103 : vector<16xi32>
    %add3A_105 = arith.constant 4 : i32
    %add3A_106 = arith.addi %add3A_87, %add3A_105 : i32
    %add3A_107 = vector.broadcast %add3A_106 : i32 to vector<16xi32>
    %add3A_108 = arith.addi %mul3A_19, %add3A_107 : vector<16xi32>
    %min3A_109 = arith.constant 255 : i32
    %min3A_110 = vector.broadcast %min3A_109 : i32 to vector<16xi32>
    %min3A_111 = arith.minsi %add3A_108, %min3A_110 : vector<16xi32>
    %gather3A_112 = tpu.vector_load_idx %arg8[%min3A_97] : memref<256xf32, #tpu.memory_space<vmem>>[vector<16xi32>], vector<16xf32>,
    %gather3A_113 = tpu.vector_load_idx %arg8[%min3A_104] : memref<256xf32, #tpu.memory_space<vmem>>[vector<16xi32>], vector<16xf32>,
    %gather3A_114 = tpu.vector_load_idx %arg8[%min3A_111] : memref<256xf32, #tpu.memory_space<vmem>>[vector<16xi32>], vector<16xf32>,
    %ne3A_115 = arith.constant 0.000000e+00 : f32
    %ne3A_116 = vector.broadcast %ne3A_115 : f32 to vector<16xf32>
    %ne3A_117 = arith.cmpf one, %gather3A_114, %ne3A_116 : vector<16xf32>
    %and3A_118 = arith.andi %ne3A_117, %lt3A_90 : vector<16xi1>
    %jit3A_119 = arith.constant 1 : i32
    %jit3A_120 = arith.constant 0 : i32
    %broadcast_in_dim3A_121 = vector.broadcast %jit3A_119 : i32 to vector<16xi32>
    %broadcast_in_dim3A_122 = vector.broadcast %jit3A_120 : i32 to vector<16xi32>
    %select_n3A_123 = arith.select %and3A_118, %broadcast_in_dim3A_121, %broadcast_in_dim3A_122 : vector<16xi1>, vector<16xi32>
    %mul3A_124 = arith.constant 2.500000e-01 : f32
    %mul3A_125 = vector.broadcast %mul3A_124 : f32 to vector<16xf32>
    %mul3A_126 = arith.mulf %gather3A_112, %mul3A_125 : vector<16xf32>
    %convert_element_type3A_127 = arith.fptosi %mul3A_126 : vector<16xf32> to vector<16xi32>
    %jit3A_128 = arith.constant 0 : i32
    %jit3A_129 = arith.constant 127 : i32
    %max3A_130 = vector.broadcast %jit3A_128 : i32 to vector<16xi32>
    %max3A_131 = arith.maxsi %max3A_130, %convert_element_type3A_127 : vector<16xi32>
    %min3A_132 = vector.broadcast %jit3A_129 : i32 to vector<16xi32>
    %min3A_133 = arith.minsi %min3A_132, %max3A_131 : vector<16xi32>
    %mul3A_134 = arith.constant 2.500000e-01 : f32
    %mul3A_135 = vector.broadcast %mul3A_134 : f32 to vector<16xf32>
    %mul3A_136 = arith.mulf %gather3A_113, %mul3A_135 : vector<16xf32>
    %convert_element_type3A_137 = arith.fptosi %mul3A_136 : vector<16xf32> to vector<16xi32>
    %jit3A_138 = arith.constant 0 : i32
    %jit3A_139 = arith.constant 127 : i32
    %max3A_140 = vector.broadcast %jit3A_138 : i32 to vector<16xi32>
    %max3A_141 = arith.maxsi %max3A_140, %convert_element_type3A_137 : vector<16xi32>
    %min3A_142 = vector.broadcast %jit3A_139 : i32 to vector<16xi32>
    %min3A_143 = arith.minsi %min3A_142, %max3A_141 : vector<16xi32>
    tpu.vector_store_idx %arg9[%min3A_133], %select_n3A_123 {add = true} : memref<128xi32, #tpu.memory_space<vmem>>[vector<16xi32>], vector<16xi32>,
    %neg3A_144 = arith.constant 0 : i32
    %neg3A_145 = vector.broadcast %neg3A_144 : i32 to vector<16xi32>
    %neg3A_146 = arith.subi %neg3A_145, %select_n3A_123 : vector<16xi32>
    tpu.vector_store_idx %arg9[%min3A_143], %neg3A_146 {add = true} : memref<128xi32, #tpu.memory_space<vmem>>[vector<16xi32>], vector<16xi32>,
    %get3A = arith.constant 0 : index
    %get3A_147 = tpu.vector_load %arg9[%get3A] {strides = array<i32>} : memref<128xi32, #tpu.memory_space<vmem>>, vector<16xi32>,
    %broadcast_in_dim3A_148 = arith.constant true
    %broadcast_in_dim3A_149 = vector.broadcast %broadcast_in_dim3A_148 : i1 to vector<16xi1>
    %masked_cumsum3A = tpu.scan <sum>, %get3A_147 masked %broadcast_in_dim3A_149 : vector<16xi32>, vector<16xi1> -> vector<16xi32>
    %add3A_150 = arith.addi %masked_cumsum3A, %broadcast_in_dim3A_20 : vector<16xi32>
    %gt3A = arith.constant 0 : i32
    %gt3A_151 = vector.broadcast %gt3A : i32 to vector<16xi32>
    %gt3A_152 = arith.cmpi sgt, %add3A_150, %gt3A_151 : vector<16xi32>
    %convert_element_type3A_153 = arith.extui %gt3A_152 : vector<16xi1> to vector<16xi32>
    %convert_element_type3A_154 = arith.sitofp %convert_element_type3A_153 : vector<16xi32> to vector<16xf32>
    %swap3A_155 = arith.constant 0 : index
    %swap3A_156 = tpu.vector_load %arg10[%swap3A_155] {strides = array<i32>} : memref<144xf32, #tpu.memory_space<vmem>>, vector<16xf32>,
    tpu.vector_store %arg10[%swap3A_155], %convert_element_type3A_154 {strides = array<i32>} : memref<144xf32, #tpu.memory_space<vmem>>, vector<16xf32>,
    %reduce_sum3A = arith.constant true
    %reduce_sum3A_157 = vector.broadcast %reduce_sum3A : i1 to vector<16xi1>
    %reduce_sum3A_158 = tpu.scan <sum>, %get3A_147 masked %reduce_sum3A_157 : vector<16xi32>, vector<16xi1> -> vector<16xi32>
    %reduce_sum3A_159 = vector.extract %reduce_sum3A_158[15] : i32 from vector<16xi32>
    %broadcast_in_dim3A_160 = vector.broadcast %reduce_sum3A_159 : i32 to vector<16xi32>
    %add3A_161 = arith.addi %broadcast_in_dim3A_20, %broadcast_in_dim3A_160 : vector<16xi32>
    %convert_element_type3A_162 = arith.extui %gt3A_152 : vector<16xi1> to vector<16xi32>
    %add3A_163 = arith.addi %broadcast_in_dim3A_20, %convert_element_type3A_162 : vector<16xi32>
    %get3A_164 = arith.constant 16 : index
    %get3A_165 = tpu.vector_load %arg9[%get3A_164] {strides = array<i32>} : memref<128xi32, #tpu.memory_space<vmem>>, vector<16xi32>,
    %broadcast_in_dim3A_166 = arith.constant true
    %broadcast_in_dim3A_167 = vector.broadcast %broadcast_in_dim3A_166 : i1 to vector<16xi1>
    %masked_cumsum3A_168 = tpu.scan <sum>, %get3A_165 masked %broadcast_in_dim3A_167 : vector<16xi32>, vector<16xi1> -> vector<16xi32>
    %add3A_169 = arith.addi %masked_cumsum3A_168, %add3A_161 : vector<16xi32>
    %gt3A_170 = arith.constant 0 : i32
    %gt3A_171 = vector.broadcast %gt3A_170 : i32 to vector<16xi32>
    %gt3A_172 = arith.cmpi sgt, %add3A_169, %gt3A_171 : vector<16xi32>
    %convert_element_type3A_173 = arith.extui %gt3A_172 : vector<16xi1> to vector<16xi32>
    %convert_element_type3A_174 = arith.sitofp %convert_element_type3A_173 : vector<16xi32> to vector<16xf32>
    %swap3A_175 = arith.constant 16 : index
    %swap3A_176 = tpu.vector_load %arg10[%swap3A_175] {strides = array<i32>} : memref<144xf32, #tpu.memory_space<vmem>>, vector<16xf32>,
    tpu.vector_store %arg10[%swap3A_175], %convert_element_type3A_174 {strides = array<i32>} : memref<144xf32, #tpu.memory_space<vmem>>, vector<16xf32>,
    %reduce_sum3A_177 = arith.constant true
    %reduce_sum3A_178 = vector.broadcast %reduce_sum3A_177 : i1 to vector<16xi1>
    %reduce_sum3A_179 = tpu.scan <sum>, %get3A_165 masked %reduce_sum3A_178 : vector<16xi32>, vector<16xi1> -> vector<16xi32>
    %reduce_sum3A_180 = vector.extract %reduce_sum3A_179[15] : i32 from vector<16xi32>
    %broadcast_in_dim3A_181 = vector.broadcast %reduce_sum3A_180 : i32 to vector<16xi32>
    %add3A_182 = arith.addi %add3A_161, %broadcast_in_dim3A_181 : vector<16xi32>
    %convert_element_type3A_183 = arith.extui %gt3A_172 : vector<16xi1> to vector<16xi32>
    %add3A_184 = arith.addi %add3A_163, %convert_element_type3A_183 : vector<16xi32>
    %get3A_185 = arith.constant 32 : index
    %get3A_186 = tpu.vector_load %arg9[%get3A_185] {strides = array<i32>} : memref<128xi32, #tpu.memory_space<vmem>>, vector<16xi32>,
    %broadcast_in_dim3A_187 = arith.constant true
    %broadcast_in_dim3A_188 = vector.broadcast %broadcast_in_dim3A_187 : i1 to vector<16xi1>
    %masked_cumsum3A_189 = tpu.scan <sum>, %get3A_186 masked %broadcast_in_dim3A_188 : vector<16xi32>, vector<16xi1> -> vector<16xi32>
    %add3A_190 = arith.addi %masked_cumsum3A_189, %add3A_182 : vector<16xi32>
    %gt3A_191 = arith.constant 0 : i32
    %gt3A_192 = vector.broadcast %gt3A_191 : i32 to vector<16xi32>
    %gt3A_193 = arith.cmpi sgt, %add3A_190, %gt3A_192 : vector<16xi32>
    %convert_element_type3A_194 = arith.extui %gt3A_193 : vector<16xi1> to vector<16xi32>
    %convert_element_type3A_195 = arith.sitofp %convert_element_type3A_194 : vector<16xi32> to vector<16xf32>
    %swap3A_196 = arith.constant 32 : index
    %swap3A_197 = tpu.vector_load %arg10[%swap3A_196] {strides = array<i32>} : memref<144xf32, #tpu.memory_space<vmem>>, vector<16xf32>,
    tpu.vector_store %arg10[%swap3A_196], %convert_element_type3A_195 {strides = array<i32>} : memref<144xf32, #tpu.memory_space<vmem>>, vector<16xf32>,
    %reduce_sum3A_198 = arith.constant true
    %reduce_sum3A_199 = vector.broadcast %reduce_sum3A_198 : i1 to vector<16xi1>
    %reduce_sum3A_200 = tpu.scan <sum>, %get3A_186 masked %reduce_sum3A_199 : vector<16xi32>, vector<16xi1> -> vector<16xi32>
    %reduce_sum3A_201 = vector.extract %reduce_sum3A_200[15] : i32 from vector<16xi32>
    %broadcast_in_dim3A_202 = vector.broadcast %reduce_sum3A_201 : i32 to vector<16xi32>
    %add3A_203 = arith.addi %add3A_182, %broadcast_in_dim3A_202 : vector<16xi32>
    %convert_element_type3A_204 = arith.extui %gt3A_193 : vector<16xi1> to vector<16xi32>
    %add3A_205 = arith.addi %add3A_184, %convert_element_type3A_204 : vector<16xi32>
    %get3A_206 = arith.constant 48 : index
    %get3A_207 = tpu.vector_load %arg9[%get3A_206] {strides = array<i32>} : memref<128xi32, #tpu.memory_space<vmem>>, vector<16xi32>,
    %broadcast_in_dim3A_208 = arith.constant true
    %broadcast_in_dim3A_209 = vector.broadcast %broadcast_in_dim3A_208 : i1 to vector<16xi1>
    %masked_cumsum3A_210 = tpu.scan <sum>, %get3A_207 masked %broadcast_in_dim3A_209 : vector<16xi32>, vector<16xi1> -> vector<16xi32>
    %add3A_211 = arith.addi %masked_cumsum3A_210, %add3A_203 : vector<16xi32>
    %gt3A_212 = arith.constant 0 : i32
    %gt3A_213 = vector.broadcast %gt3A_212 : i32 to vector<16xi32>
    %gt3A_214 = arith.cmpi sgt, %add3A_211, %gt3A_213 : vector<16xi32>
    %convert_element_type3A_215 = arith.extui %gt3A_214 : vector<16xi1> to vector<16xi32>
    %convert_element_type3A_216 = arith.sitofp %convert_element_type3A_215 : vector<16xi32> to vector<16xf32>
    %swap3A_217 = arith.constant 48 : index
    %swap3A_218 = tpu.vector_load %arg10[%swap3A_217] {strides = array<i32>} : memref<144xf32, #tpu.memory_space<vmem>>, vector<16xf32>,
    tpu.vector_store %arg10[%swap3A_217], %convert_element_type3A_216 {strides = array<i32>} : memref<144xf32, #tpu.memory_space<vmem>>, vector<16xf32>,
    %reduce_sum3A_219 = arith.constant true
    %reduce_sum3A_220 = vector.broadcast %reduce_sum3A_219 : i1 to vector<16xi1>
    %reduce_sum3A_221 = tpu.scan <sum>, %get3A_207 masked %reduce_sum3A_220 : vector<16xi32>, vector<16xi1> -> vector<16xi32>
    %reduce_sum3A_222 = vector.extract %reduce_sum3A_221[15] : i32 from vector<16xi32>
    %broadcast_in_dim3A_223 = vector.broadcast %reduce_sum3A_222 : i32 to vector<16xi32>
    %add3A_224 = arith.addi %add3A_203, %broadcast_in_dim3A_223 : vector<16xi32>
    %convert_element_type3A_225 = arith.extui %gt3A_214 : vector<16xi1> to vector<16xi32>
    %add3A_226 = arith.addi %add3A_205, %convert_element_type3A_225 : vector<16xi32>
    %get3A_227 = arith.constant 64 : index
    %get3A_228 = tpu.vector_load %arg9[%get3A_227] {strides = array<i32>} : memref<128xi32, #tpu.memory_space<vmem>>, vector<16xi32>,
    %broadcast_in_dim3A_229 = arith.constant true
    %broadcast_in_dim3A_230 = vector.broadcast %broadcast_in_dim3A_229 : i1 to vector<16xi1>
    %masked_cumsum3A_231 = tpu.scan <sum>, %get3A_228 masked %broadcast_in_dim3A_230 : vector<16xi32>, vector<16xi1> -> vector<16xi32>
    %add3A_232 = arith.addi %masked_cumsum3A_231, %add3A_224 : vector<16xi32>
    %gt3A_233 = arith.constant 0 : i32
    %gt3A_234 = vector.broadcast %gt3A_233 : i32 to vector<16xi32>
    %gt3A_235 = arith.cmpi sgt, %add3A_232, %gt3A_234 : vector<16xi32>
    %convert_element_type3A_236 = arith.extui %gt3A_235 : vector<16xi1> to vector<16xi32>
    %convert_element_type3A_237 = arith.sitofp %convert_element_type3A_236 : vector<16xi32> to vector<16xf32>
    %swap3A_238 = arith.constant 64 : index
    %swap3A_239 = tpu.vector_load %arg10[%swap3A_238] {strides = array<i32>} : memref<144xf32, #tpu.memory_space<vmem>>, vector<16xf32>,
    tpu.vector_store %arg10[%swap3A_238], %convert_element_type3A_237 {strides = array<i32>} : memref<144xf32, #tpu.memory_space<vmem>>, vector<16xf32>,
    %reduce_sum3A_240 = arith.constant true
    %reduce_sum3A_241 = vector.broadcast %reduce_sum3A_240 : i1 to vector<16xi1>
    %reduce_sum3A_242 = tpu.scan <sum>, %get3A_228 masked %reduce_sum3A_241 : vector<16xi32>, vector<16xi1> -> vector<16xi32>
    %reduce_sum3A_243 = vector.extract %reduce_sum3A_242[15] : i32 from vector<16xi32>
    %broadcast_in_dim3A_244 = vector.broadcast %reduce_sum3A_243 : i32 to vector<16xi32>
    %add3A_245 = arith.addi %add3A_224, %broadcast_in_dim3A_244 : vector<16xi32>
    %convert_element_type3A_246 = arith.extui %gt3A_235 : vector<16xi1> to vector<16xi32>
    %add3A_247 = arith.addi %add3A_226, %convert_element_type3A_246 : vector<16xi32>
    %get3A_248 = arith.constant 80 : index
    %get3A_249 = tpu.vector_load %arg9[%get3A_248] {strides = array<i32>} : memref<128xi32, #tpu.memory_space<vmem>>, vector<16xi32>,
    %broadcast_in_dim3A_250 = arith.constant true
    %broadcast_in_dim3A_251 = vector.broadcast %broadcast_in_dim3A_250 : i1 to vector<16xi1>
    %masked_cumsum3A_252 = tpu.scan <sum>, %get3A_249 masked %broadcast_in_dim3A_251 : vector<16xi32>, vector<16xi1> -> vector<16xi32>
    %add3A_253 = arith.addi %masked_cumsum3A_252, %add3A_245 : vector<16xi32>
    %gt3A_254 = arith.constant 0 : i32
    %gt3A_255 = vector.broadcast %gt3A_254 : i32 to vector<16xi32>
    %gt3A_256 = arith.cmpi sgt, %add3A_253, %gt3A_255 : vector<16xi32>
    %convert_element_type3A_257 = arith.extui %gt3A_256 : vector<16xi1> to vector<16xi32>
    %convert_element_type3A_258 = arith.sitofp %convert_element_type3A_257 : vector<16xi32> to vector<16xf32>
    %swap3A_259 = arith.constant 80 : index
    %swap3A_260 = tpu.vector_load %arg10[%swap3A_259] {strides = array<i32>} : memref<144xf32, #tpu.memory_space<vmem>>, vector<16xf32>,
    tpu.vector_store %arg10[%swap3A_259], %convert_element_type3A_258 {strides = array<i32>} : memref<144xf32, #tpu.memory_space<vmem>>, vector<16xf32>,
    %reduce_sum3A_261 = arith.constant true
    %reduce_sum3A_262 = vector.broadcast %reduce_sum3A_261 : i1 to vector<16xi1>
    %reduce_sum3A_263 = tpu.scan <sum>, %get3A_249 masked %reduce_sum3A_262 : vector<16xi32>, vector<16xi1> -> vector<16xi32>
    %reduce_sum3A_264 = vector.extract %reduce_sum3A_263[15] : i32 from vector<16xi32>
    %broadcast_in_dim3A_265 = vector.broadcast %reduce_sum3A_264 : i32 to vector<16xi32>
    %add3A_266 = arith.addi %add3A_245, %broadcast_in_dim3A_265 : vector<16xi32>
    %convert_element_type3A_267 = arith.extui %gt3A_256 : vector<16xi1> to vector<16xi32>
    %add3A_268 = arith.addi %add3A_247, %convert_element_type3A_267 : vector<16xi32>
    %get3A_269 = arith.constant 96 : index
    %get3A_270 = tpu.vector_load %arg9[%get3A_269] {strides = array<i32>} : memref<128xi32, #tpu.memory_space<vmem>>, vector<16xi32>,
    %broadcast_in_dim3A_271 = arith.constant true
    %broadcast_in_dim3A_272 = vector.broadcast %broadcast_in_dim3A_271 : i1 to vector<16xi1>
    %masked_cumsum3A_273 = tpu.scan <sum>, %get3A_270 masked %broadcast_in_dim3A_272 : vector<16xi32>, vector<16xi1> -> vector<16xi32>
    %add3A_274 = arith.addi %masked_cumsum3A_273, %add3A_266 : vector<16xi32>
    %gt3A_275 = arith.constant 0 : i32
    %gt3A_276 = vector.broadcast %gt3A_275 : i32 to vector<16xi32>
    %gt3A_277 = arith.cmpi sgt, %add3A_274, %gt3A_276 : vector<16xi32>
    %convert_element_type3A_278 = arith.extui %gt3A_277 : vector<16xi1> to vector<16xi32>
    %convert_element_type3A_279 = arith.sitofp %convert_element_type3A_278 : vector<16xi32> to vector<16xf32>
    %swap3A_280 = arith.constant 96 : index
    %swap3A_281 = tpu.vector_load %arg10[%swap3A_280] {strides = array<i32>} : memref<144xf32, #tpu.memory_space<vmem>>, vector<16xf32>,
    tpu.vector_store %arg10[%swap3A_280], %convert_element_type3A_279 {strides = array<i32>} : memref<144xf32, #tpu.memory_space<vmem>>, vector<16xf32>,
    %reduce_sum3A_282 = arith.constant true
    %reduce_sum3A_283 = vector.broadcast %reduce_sum3A_282 : i1 to vector<16xi1>
    %reduce_sum3A_284 = tpu.scan <sum>, %get3A_270 masked %reduce_sum3A_283 : vector<16xi32>, vector<16xi1> -> vector<16xi32>
    %reduce_sum3A_285 = vector.extract %reduce_sum3A_284[15] : i32 from vector<16xi32>
    %broadcast_in_dim3A_286 = vector.broadcast %reduce_sum3A_285 : i32 to vector<16xi32>
    %add3A_287 = arith.addi %add3A_266, %broadcast_in_dim3A_286 : vector<16xi32>
    %convert_element_type3A_288 = arith.extui %gt3A_277 : vector<16xi1> to vector<16xi32>
    %add3A_289 = arith.addi %add3A_268, %convert_element_type3A_288 : vector<16xi32>
    %get3A_290 = arith.constant 112 : index
    %get3A_291 = tpu.vector_load %arg9[%get3A_290] {strides = array<i32>} : memref<128xi32, #tpu.memory_space<vmem>>, vector<16xi32>,
    %broadcast_in_dim3A_292 = arith.constant true
    %broadcast_in_dim3A_293 = vector.broadcast %broadcast_in_dim3A_292 : i1 to vector<16xi1>
    %masked_cumsum3A_294 = tpu.scan <sum>, %get3A_291 masked %broadcast_in_dim3A_293 : vector<16xi32>, vector<16xi1> -> vector<16xi32>
    %add3A_295 = arith.addi %masked_cumsum3A_294, %add3A_287 : vector<16xi32>
    %gt3A_296 = arith.constant 0 : i32
    %gt3A_297 = vector.broadcast %gt3A_296 : i32 to vector<16xi32>
    %gt3A_298 = arith.cmpi sgt, %add3A_295, %gt3A_297 : vector<16xi32>
    %convert_element_type3A_299 = arith.extui %gt3A_298 : vector<16xi1> to vector<16xi32>
    %convert_element_type3A_300 = arith.sitofp %convert_element_type3A_299 : vector<16xi32> to vector<16xf32>
    %swap3A_301 = arith.constant 112 : index
    %swap3A_302 = tpu.vector_load %arg10[%swap3A_301] {strides = array<i32>} : memref<144xf32, #tpu.memory_space<vmem>>, vector<16xf32>,
    tpu.vector_store %arg10[%swap3A_301], %convert_element_type3A_300 {strides = array<i32>} : memref<144xf32, #tpu.memory_space<vmem>>, vector<16xf32>,
    %reduce_sum3A_303 = arith.constant true
    %reduce_sum3A_304 = vector.broadcast %reduce_sum3A_303 : i1 to vector<16xi1>
    %reduce_sum3A_305 = tpu.scan <sum>, %get3A_291 masked %reduce_sum3A_304 : vector<16xi32>, vector<16xi1> -> vector<16xi32>
    %reduce_sum3A_306 = vector.extract %reduce_sum3A_305[15] : i32 from vector<16xi32>
    %broadcast_in_dim3A_307 = vector.broadcast %reduce_sum3A_306 : i32 to vector<16xi32>
    %add3A_308 = arith.addi %add3A_287, %broadcast_in_dim3A_307 : vector<16xi32>
    %convert_element_type3A_309 = arith.extui %gt3A_298 : vector<16xi1> to vector<16xi32>
    %add3A_310 = arith.addi %add3A_289, %convert_element_type3A_309 : vector<16xi32>
    %broadcast_in_dim3A_311 = arith.constant 0 : i32
    %broadcast_in_dim3A_312 = vector.broadcast %broadcast_in_dim3A_311 : i32 to vector<16xi32>
    %swap3A_313 = arith.constant 0 : index
    %swap3A_314 = tpu.vector_load %arg9[%swap3A_313] {strides = array<i32>} : memref<128xi32, #tpu.memory_space<vmem>>, vector<16xi32>,
    tpu.vector_store %arg9[%swap3A_313], %broadcast_in_dim3A_312 {strides = array<i32>} : memref<128xi32, #tpu.memory_space<vmem>>, vector<16xi32>,
    %swap3A_315 = arith.constant 16 : index
    %swap3A_316 = tpu.vector_load %arg9[%swap3A_315] {strides = array<i32>} : memref<128xi32, #tpu.memory_space<vmem>>, vector<16xi32>,
    tpu.vector_store %arg9[%swap3A_315], %broadcast_in_dim3A_312 {strides = array<i32>} : memref<128xi32, #tpu.memory_space<vmem>>, vector<16xi32>,
    %swap3A_317 = arith.constant 32 : index
    %swap3A_318 = tpu.vector_load %arg9[%swap3A_317] {strides = array<i32>} : memref<128xi32, #tpu.memory_space<vmem>>, vector<16xi32>,
    tpu.vector_store %arg9[%swap3A_317], %broadcast_in_dim3A_312 {strides = array<i32>} : memref<128xi32, #tpu.memory_space<vmem>>, vector<16xi32>,
    %swap3A_319 = arith.constant 48 : index
    %swap3A_320 = tpu.vector_load %arg9[%swap3A_319] {strides = array<i32>} : memref<128xi32, #tpu.memory_space<vmem>>, vector<16xi32>,
    tpu.vector_store %arg9[%swap3A_319], %broadcast_in_dim3A_312 {strides = array<i32>} : memref<128xi32, #tpu.memory_space<vmem>>, vector<16xi32>,
    %swap3A_321 = arith.constant 64 : index
    %swap3A_322 = tpu.vector_load %arg9[%swap3A_321] {strides = array<i32>} : memref<128xi32, #tpu.memory_space<vmem>>, vector<16xi32>,
    tpu.vector_store %arg9[%swap3A_321], %broadcast_in_dim3A_312 {strides = array<i32>} : memref<128xi32, #tpu.memory_space<vmem>>, vector<16xi32>,
    %swap3A_323 = arith.constant 80 : index
    %swap3A_324 = tpu.vector_load %arg9[%swap3A_323] {strides = array<i32>} : memref<128xi32, #tpu.memory_space<vmem>>, vector<16xi32>,
    tpu.vector_store %arg9[%swap3A_323], %broadcast_in_dim3A_312 {strides = array<i32>} : memref<128xi32, #tpu.memory_space<vmem>>, vector<16xi32>,
    %swap3A_325 = arith.constant 96 : index
    %swap3A_326 = tpu.vector_load %arg9[%swap3A_325] {strides = array<i32>} : memref<128xi32, #tpu.memory_space<vmem>>, vector<16xi32>,
    tpu.vector_store %arg9[%swap3A_325], %broadcast_in_dim3A_312 {strides = array<i32>} : memref<128xi32, #tpu.memory_space<vmem>>, vector<16xi32>,
    %swap3A_327 = arith.constant 112 : index
    %swap3A_328 = tpu.vector_load %arg9[%swap3A_327] {strides = array<i32>} : memref<128xi32, #tpu.memory_space<vmem>>, vector<16xi32>,
    tpu.vector_store %arg9[%swap3A_327], %broadcast_in_dim3A_312 {strides = array<i32>} : memref<128xi32, #tpu.memory_space<vmem>>, vector<16xi32>,
    %add3A_329 = arith.constant 0 : i32
    %add3A_330 = arith.addi %mul3A_16, %add3A_329 : i32
    %lt3A_331 = arith.constant 20 : i32
    %lt3A_332 = vector.broadcast %lt3A_331 : i32 to vector<16xi32>
    %lt3A_333 = arith.cmpi slt, %iota3A, %lt3A_332 : vector<16xi32>
    %add3A_334 = arith.constant 0 : i32
    %add3A_335 = arith.addi %add3A_330, %add3A_334 : i32
    %add3A_336 = vector.broadcast %add3A_335 : i32 to vector<16xi32>
    %add3A_337 = arith.addi %mul3A_19, %add3A_336 : vector<16xi32>
    %min3A_338 = arith.constant 255 : i32
    %min3A_339 = vector.broadcast %min3A_338 : i32 to vector<16xi32>
    %min3A_340 = arith.minsi %add3A_337, %min3A_339 : vector<16xi32>
    %add3A_341 = arith.constant 2 : i32
    %add3A_342 = arith.addi %add3A_330, %add3A_341 : i32
    %add3A_343 = vector.broadcast %add3A_342 : i32 to vector<16xi32>
    %add3A_344 = arith.addi %mul3A_19, %add3A_343 : vector<16xi32>
    %min3A_345 = arith.constant 255 : i32
    %min3A_346 = vector.broadcast %min3A_345 : i32 to vector<16xi32>
    %min3A_347 = arith.minsi %add3A_344, %min3A_346 : vector<16xi32>
    %add3A_348 = arith.constant 4 : i32
    %add3A_349 = arith.addi %add3A_330, %add3A_348 : i32
    %add3A_350 = vector.broadcast %add3A_349 : i32 to vector<16xi32>
    %add3A_351 = arith.addi %mul3A_19, %add3A_350 : vector<16xi32>
    %min3A_352 = arith.constant 255 : i32
    %min3A_353 = vector.broadcast %min3A_352 : i32 to vector<16xi32>
    %min3A_354 = arith.minsi %add3A_351, %min3A_353 : vector<16xi32>
    %gather3A_355 = tpu.vector_load_idx %arg8[%min3A_340] : memref<256xf32, #tpu.memory_space<vmem>>[vector<16xi32>], vector<16xf32>,
    %gather3A_356 = tpu.vector_load_idx %arg8[%min3A_347] : memref<256xf32, #tpu.memory_space<vmem>>[vector<16xi32>], vector<16xf32>,
    %gather3A_357 = tpu.vector_load_idx %arg8[%min3A_354] : memref<256xf32, #tpu.memory_space<vmem>>[vector<16xi32>], vector<16xf32>,
    %ne3A_358 = arith.constant 0.000000e+00 : f32
    %ne3A_359 = vector.broadcast %ne3A_358 : f32 to vector<16xf32>
    %ne3A_360 = arith.cmpf one, %gather3A_357, %ne3A_359 : vector<16xf32>
    %and3A_361 = arith.andi %ne3A_360, %lt3A_333 : vector<16xi1>
    %jit3A_362 = arith.constant 1 : i32
    %jit3A_363 = arith.constant 0 : i32
    %broadcast_in_dim3A_364 = vector.broadcast %jit3A_362 : i32 to vector<16xi32>
    %broadcast_in_dim3A_365 = vector.broadcast %jit3A_363 : i32 to vector<16xi32>
    %select_n3A_366 = arith.select %and3A_361, %broadcast_in_dim3A_364, %broadcast_in_dim3A_365 : vector<16xi1>, vector<16xi32>
    %mul3A_367 = arith.constant 2.500000e-01 : f32
    %mul3A_368 = vector.broadcast %mul3A_367 : f32 to vector<16xf32>
    %mul3A_369 = arith.mulf %gather3A_355, %mul3A_368 : vector<16xf32>
    %convert_element_type3A_370 = arith.fptosi %mul3A_369 : vector<16xf32> to vector<16xi32>
    %jit3A_371 = arith.constant 0 : i32
    %jit3A_372 = arith.constant 127 : i32
    %max3A_373 = vector.broadcast %jit3A_371 : i32 to vector<16xi32>
    %max3A_374 = arith.maxsi %max3A_373, %convert_element_type3A_370 : vector<16xi32>
    %min3A_375 = vector.broadcast %jit3A_372 : i32 to vector<16xi32>
    %min3A_376 = arith.minsi %min3A_375, %max3A_374 : vector<16xi32>
    %mul3A_377 = arith.constant 2.500000e-01 : f32
    %mul3A_378 = vector.broadcast %mul3A_377 : f32 to vector<16xf32>
    %mul3A_379 = arith.mulf %gather3A_356, %mul3A_378 : vector<16xf32>
    %convert_element_type3A_380 = arith.fptosi %mul3A_379 : vector<16xf32> to vector<16xi32>
    %jit3A_381 = arith.constant 0 : i32
    %jit3A_382 = arith.constant 127 : i32
    %max3A_383 = vector.broadcast %jit3A_381 : i32 to vector<16xi32>
    %max3A_384 = arith.maxsi %max3A_383, %convert_element_type3A_380 : vector<16xi32>
    %min3A_385 = vector.broadcast %jit3A_382 : i32 to vector<16xi32>
    %min3A_386 = arith.minsi %min3A_385, %max3A_384 : vector<16xi32>
    tpu.vector_store_idx %arg9[%min3A_376], %select_n3A_366 {add = true} : memref<128xi32, #tpu.memory_space<vmem>>[vector<16xi32>], vector<16xi32>,
    %neg3A_387 = arith.constant 0 : i32
    %neg3A_388 = vector.broadcast %neg3A_387 : i32 to vector<16xi32>
    %neg3A_389 = arith.subi %neg3A_388, %select_n3A_366 : vector<16xi32>
    tpu.vector_store_idx %arg9[%min3A_386], %neg3A_389 {add = true} : memref<128xi32, #tpu.memory_space<vmem>>[vector<16xi32>], vector<16xi32>,
    %add3A_390 = arith.constant 80 : i32
    %add3A_391 = arith.addi %mul3A_16, %add3A_390 : i32
    %lt3A_392 = arith.constant 4 : i32
    %lt3A_393 = vector.broadcast %lt3A_392 : i32 to vector<16xi32>
    %lt3A_394 = arith.cmpi slt, %iota3A, %lt3A_393 : vector<16xi32>
    %add3A_395 = arith.constant 0 : i32
    %add3A_396 = arith.addi %add3A_391, %add3A_395 : i32
    %add3A_397 = vector.broadcast %add3A_396 : i32 to vector<16xi32>
    %add3A_398 = arith.addi %mul3A_19, %add3A_397 : vector<16xi32>
    %min3A_399 = arith.constant 255 : i32
    %min3A_400 = vector.broadcast %min3A_399 : i32 to vector<16xi32>
    %min3A_401 = arith.minsi %add3A_398, %min3A_400 : vector<16xi32>
    %add3A_402 = arith.constant 2 : i32
    %add3A_403 = arith.addi %add3A_391, %add3A_402 : i32
    %add3A_404 = vector.broadcast %add3A_403 : i32 to vector<16xi32>
    %add3A_405 = arith.addi %mul3A_19, %add3A_404 : vector<16xi32>
    %min3A_406 = arith.constant 255 : i32
    %min3A_407 = vector.broadcast %min3A_406 : i32 to vector<16xi32>
    %min3A_408 = arith.minsi %add3A_405, %min3A_407 : vector<16xi32>
    %add3A_409 = arith.constant 4 : i32
    %add3A_410 = arith.addi %add3A_391, %add3A_409 : i32
    %add3A_411 = vector.broadcast %add3A_410 : i32 to vector<16xi32>
    %add3A_412 = arith.addi %mul3A_19, %add3A_411 : vector<16xi32>
    %min3A_413 = arith.constant 255 : i32
    %min3A_414 = vector.broadcast %min3A_413 : i32 to vector<16xi32>
    %min3A_415 = arith.minsi %add3A_412, %min3A_414 : vector<16xi32>
    %gather3A_416 = tpu.vector_load_idx %arg8[%min3A_401] : memref<256xf32, #tpu.memory_space<vmem>>[vector<16xi32>], vector<16xf32>,
    %gather3A_417 = tpu.vector_load_idx %arg8[%min3A_408] : memref<256xf32, #tpu.memory_space<vmem>>[vector<16xi32>], vector<16xf32>,
    %gather3A_418 = tpu.vector_load_idx %arg8[%min3A_415] : memref<256xf32, #tpu.memory_space<vmem>>[vector<16xi32>], vector<16xf32>,
    %ne3A_419 = arith.constant 0.000000e+00 : f32
    %ne3A_420 = vector.broadcast %ne3A_419 : f32 to vector<16xf32>
    %ne3A_421 = arith.cmpf one, %gather3A_418, %ne3A_420 : vector<16xf32>
    %and3A_422 = arith.andi %ne3A_421, %lt3A_394 : vector<16xi1>
    %jit3A_423 = arith.constant 1 : i32
    %jit3A_424 = arith.constant 0 : i32
    %broadcast_in_dim3A_425 = vector.broadcast %jit3A_423 : i32 to vector<16xi32>
    %broadcast_in_dim3A_426 = vector.broadcast %jit3A_424 : i32 to vector<16xi32>
    %select_n3A_427 = arith.select %and3A_422, %broadcast_in_dim3A_425, %broadcast_in_dim3A_426 : vector<16xi1>, vector<16xi32>
    %mul3A_428 = arith.constant 2.500000e-01 : f32
    %mul3A_429 = vector.broadcast %mul3A_428 : f32 to vector<16xf32>
    %mul3A_430 = arith.mulf %gather3A_416, %mul3A_429 : vector<16xf32>
    %convert_element_type3A_431 = arith.fptosi %mul3A_430 : vector<16xf32> to vector<16xi32>
    %jit3A_432 = arith.constant 0 : i32
    %jit3A_433 = arith.constant 127 : i32
    %max3A_434 = vector.broadcast %jit3A_432 : i32 to vector<16xi32>
    %max3A_435 = arith.maxsi %max3A_434, %convert_element_type3A_431 : vector<16xi32>
    %min3A_436 = vector.broadcast %jit3A_433 : i32 to vector<16xi32>
    %min3A_437 = arith.minsi %min3A_436, %max3A_435 : vector<16xi32>
    %mul3A_438 = arith.constant 2.500000e-01 : f32
    %mul3A_439 = vector.broadcast %mul3A_438 : f32 to vector<16xf32>
    %mul3A_440 = arith.mulf %gather3A_417, %mul3A_439 : vector<16xf32>
    %convert_element_type3A_441 = arith.fptosi %mul3A_440 : vector<16xf32> to vector<16xi32>
    %jit3A_442 = arith.constant 0 : i32
    %jit3A_443 = arith.constant 127 : i32
    %max3A_444 = vector.broadcast %jit3A_442 : i32 to vector<16xi32>
    %max3A_445 = arith.maxsi %max3A_444, %convert_element_type3A_441 : vector<16xi32>
    %min3A_446 = vector.broadcast %jit3A_443 : i32 to vector<16xi32>
    %min3A_447 = arith.minsi %min3A_446, %max3A_445 : vector<16xi32>
    tpu.vector_store_idx %arg9[%min3A_437], %select_n3A_427 {add = true} : memref<128xi32, #tpu.memory_space<vmem>>[vector<16xi32>], vector<16xi32>,
    %neg3A_448 = arith.constant 0 : i32
    %neg3A_449 = vector.broadcast %neg3A_448 : i32 to vector<16xi32>
    %neg3A_450 = arith.subi %neg3A_449, %select_n3A_427 : vector<16xi32>
    tpu.vector_store_idx %arg9[%min3A_447], %neg3A_450 {add = true} : memref<128xi32, #tpu.memory_space<vmem>>[vector<16xi32>], vector<16xi32>,
    %get3A_451 = arith.constant 0 : index
    %get3A_452 = tpu.vector_load %arg9[%get3A_451] {strides = array<i32>} : memref<128xi32, #tpu.memory_space<vmem>>, vector<16xi32>,
    %broadcast_in_dim3A_453 = arith.constant true
    %broadcast_in_dim3A_454 = vector.broadcast %broadcast_in_dim3A_453 : i1 to vector<16xi1>
    %masked_cumsum3A_455 = tpu.scan <sum>, %get3A_452 masked %broadcast_in_dim3A_454 : vector<16xi32>, vector<16xi1> -> vector<16xi32>
    %add3A_456 = arith.addi %masked_cumsum3A_455, %broadcast_in_dim3A_312 : vector<16xi32>
    %gt3A_457 = arith.constant 0 : i32
    %gt3A_458 = vector.broadcast %gt3A_457 : i32 to vector<16xi32>
    %gt3A_459 = arith.cmpi sgt, %add3A_456, %gt3A_458 : vector<16xi32>
    %convert_element_type3A_460 = arith.extui %gt3A_459 : vector<16xi1> to vector<16xi32>
    %convert_element_type3A_461 = arith.sitofp %convert_element_type3A_460 : vector<16xi32> to vector<16xf32>
    %swap3A_462 = arith.constant 0 : index
    %swap3A_463 = tpu.vector_load %arg11[%swap3A_462] {strides = array<i32>} : memref<128xf32, #tpu.memory_space<vmem>>, vector<16xf32>,
    tpu.vector_store %arg11[%swap3A_462], %convert_element_type3A_461 {strides = array<i32>} : memref<128xf32, #tpu.memory_space<vmem>>, vector<16xf32>,
    %reduce_sum3A_464 = arith.constant true
    %reduce_sum3A_465 = vector.broadcast %reduce_sum3A_464 : i1 to vector<16xi1>
    %reduce_sum3A_466 = tpu.scan <sum>, %get3A_452 masked %reduce_sum3A_465 : vector<16xi32>, vector<16xi1> -> vector<16xi32>
    %reduce_sum3A_467 = vector.extract %reduce_sum3A_466[15] : i32 from vector<16xi32>
    %broadcast_in_dim3A_468 = vector.broadcast %reduce_sum3A_467 : i32 to vector<16xi32>
    %add3A_469 = arith.addi %broadcast_in_dim3A_312, %broadcast_in_dim3A_468 : vector<16xi32>
    %convert_element_type3A_470 = arith.extui %gt3A_459 : vector<16xi1> to vector<16xi32>
    %add3A_471 = arith.addi %broadcast_in_dim3A_312, %convert_element_type3A_470 : vector<16xi32>
    %get3A_472 = arith.constant 16 : index
    %get3A_473 = tpu.vector_load %arg9[%get3A_472] {strides = array<i32>} : memref<128xi32, #tpu.memory_space<vmem>>, vector<16xi32>,
    %broadcast_in_dim3A_474 = arith.constant true
    %broadcast_in_dim3A_475 = vector.broadcast %broadcast_in_dim3A_474 : i1 to vector<16xi1>
    %masked_cumsum3A_476 = tpu.scan <sum>, %get3A_473 masked %broadcast_in_dim3A_475 : vector<16xi32>, vector<16xi1> -> vector<16xi32>
    %add3A_477 = arith.addi %masked_cumsum3A_476, %add3A_469 : vector<16xi32>
    %gt3A_478 = arith.constant 0 : i32
    %gt3A_479 = vector.broadcast %gt3A_478 : i32 to vector<16xi32>
    %gt3A_480 = arith.cmpi sgt, %add3A_477, %gt3A_479 : vector<16xi32>
    %convert_element_type3A_481 = arith.extui %gt3A_480 : vector<16xi1> to vector<16xi32>
    %convert_element_type3A_482 = arith.sitofp %convert_element_type3A_481 : vector<16xi32> to vector<16xf32>
    %swap3A_483 = arith.constant 16 : index
    %swap3A_484 = tpu.vector_load %arg11[%swap3A_483] {strides = array<i32>} : memref<128xf32, #tpu.memory_space<vmem>>, vector<16xf32>,
    tpu.vector_store %arg11[%swap3A_483], %convert_element_type3A_482 {strides = array<i32>} : memref<128xf32, #tpu.memory_space<vmem>>, vector<16xf32>,
    %reduce_sum3A_485 = arith.constant true
    %reduce_sum3A_486 = vector.broadcast %reduce_sum3A_485 : i1 to vector<16xi1>
    %reduce_sum3A_487 = tpu.scan <sum>, %get3A_473 masked %reduce_sum3A_486 : vector<16xi32>, vector<16xi1> -> vector<16xi32>
    %reduce_sum3A_488 = vector.extract %reduce_sum3A_487[15] : i32 from vector<16xi32>
    %broadcast_in_dim3A_489 = vector.broadcast %reduce_sum3A_488 : i32 to vector<16xi32>
    %add3A_490 = arith.addi %add3A_469, %broadcast_in_dim3A_489 : vector<16xi32>
    %convert_element_type3A_491 = arith.extui %gt3A_480 : vector<16xi1> to vector<16xi32>
    %add3A_492 = arith.addi %add3A_471, %convert_element_type3A_491 : vector<16xi32>
    %get3A_493 = arith.constant 32 : index
    %get3A_494 = tpu.vector_load %arg9[%get3A_493] {strides = array<i32>} : memref<128xi32, #tpu.memory_space<vmem>>, vector<16xi32>,
    %broadcast_in_dim3A_495 = arith.constant true
    %broadcast_in_dim3A_496 = vector.broadcast %broadcast_in_dim3A_495 : i1 to vector<16xi1>
    %masked_cumsum3A_497 = tpu.scan <sum>, %get3A_494 masked %broadcast_in_dim3A_496 : vector<16xi32>, vector<16xi1> -> vector<16xi32>
    %add3A_498 = arith.addi %masked_cumsum3A_497, %add3A_490 : vector<16xi32>
    %gt3A_499 = arith.constant 0 : i32
    %gt3A_500 = vector.broadcast %gt3A_499 : i32 to vector<16xi32>
    %gt3A_501 = arith.cmpi sgt, %add3A_498, %gt3A_500 : vector<16xi32>
    %convert_element_type3A_502 = arith.extui %gt3A_501 : vector<16xi1> to vector<16xi32>
    %convert_element_type3A_503 = arith.sitofp %convert_element_type3A_502 : vector<16xi32> to vector<16xf32>
    %swap3A_504 = arith.constant 32 : index
    %swap3A_505 = tpu.vector_load %arg11[%swap3A_504] {strides = array<i32>} : memref<128xf32, #tpu.memory_space<vmem>>, vector<16xf32>,
    tpu.vector_store %arg11[%swap3A_504], %convert_element_type3A_503 {strides = array<i32>} : memref<128xf32, #tpu.memory_space<vmem>>, vector<16xf32>,
    %reduce_sum3A_506 = arith.constant true
    %reduce_sum3A_507 = vector.broadcast %reduce_sum3A_506 : i1 to vector<16xi1>
    %reduce_sum3A_508 = tpu.scan <sum>, %get3A_494 masked %reduce_sum3A_507 : vector<16xi32>, vector<16xi1> -> vector<16xi32>
    %reduce_sum3A_509 = vector.extract %reduce_sum3A_508[15] : i32 from vector<16xi32>
    %broadcast_in_dim3A_510 = vector.broadcast %reduce_sum3A_509 : i32 to vector<16xi32>
    %add3A_511 = arith.addi %add3A_490, %broadcast_in_dim3A_510 : vector<16xi32>
    %convert_element_type3A_512 = arith.extui %gt3A_501 : vector<16xi1> to vector<16xi32>
    %add3A_513 = arith.addi %add3A_492, %convert_element_type3A_512 : vector<16xi32>
    %get3A_514 = arith.constant 48 : index
    %get3A_515 = tpu.vector_load %arg9[%get3A_514] {strides = array<i32>} : memref<128xi32, #tpu.memory_space<vmem>>, vector<16xi32>,
    %broadcast_in_dim3A_516 = arith.constant true
    %broadcast_in_dim3A_517 = vector.broadcast %broadcast_in_dim3A_516 : i1 to vector<16xi1>
    %masked_cumsum3A_518 = tpu.scan <sum>, %get3A_515 masked %broadcast_in_dim3A_517 : vector<16xi32>, vector<16xi1> -> vector<16xi32>
    %add3A_519 = arith.addi %masked_cumsum3A_518, %add3A_511 : vector<16xi32>
    %gt3A_520 = arith.constant 0 : i32
    %gt3A_521 = vector.broadcast %gt3A_520 : i32 to vector<16xi32>
    %gt3A_522 = arith.cmpi sgt, %add3A_519, %gt3A_521 : vector<16xi32>
    %convert_element_type3A_523 = arith.extui %gt3A_522 : vector<16xi1> to vector<16xi32>
    %convert_element_type3A_524 = arith.sitofp %convert_element_type3A_523 : vector<16xi32> to vector<16xf32>
    %swap3A_525 = arith.constant 48 : index
    %swap3A_526 = tpu.vector_load %arg11[%swap3A_525] {strides = array<i32>} : memref<128xf32, #tpu.memory_space<vmem>>, vector<16xf32>,
    tpu.vector_store %arg11[%swap3A_525], %convert_element_type3A_524 {strides = array<i32>} : memref<128xf32, #tpu.memory_space<vmem>>, vector<16xf32>,
    %reduce_sum3A_527 = arith.constant true
    %reduce_sum3A_528 = vector.broadcast %reduce_sum3A_527 : i1 to vector<16xi1>
    %reduce_sum3A_529 = tpu.scan <sum>, %get3A_515 masked %reduce_sum3A_528 : vector<16xi32>, vector<16xi1> -> vector<16xi32>
    %reduce_sum3A_530 = vector.extract %reduce_sum3A_529[15] : i32 from vector<16xi32>
    %broadcast_in_dim3A_531 = vector.broadcast %reduce_sum3A_530 : i32 to vector<16xi32>
    %add3A_532 = arith.addi %add3A_511, %broadcast_in_dim3A_531 : vector<16xi32>
    %convert_element_type3A_533 = arith.extui %gt3A_522 : vector<16xi1> to vector<16xi32>
    %add3A_534 = arith.addi %add3A_513, %convert_element_type3A_533 : vector<16xi32>
    %get3A_535 = arith.constant 64 : index
    %get3A_536 = tpu.vector_load %arg9[%get3A_535] {strides = array<i32>} : memref<128xi32, #tpu.memory_space<vmem>>, vector<16xi32>,
    %broadcast_in_dim3A_537 = arith.constant true
    %broadcast_in_dim3A_538 = vector.broadcast %broadcast_in_dim3A_537 : i1 to vector<16xi1>
    %masked_cumsum3A_539 = tpu.scan <sum>, %get3A_536 masked %broadcast_in_dim3A_538 : vector<16xi32>, vector<16xi1> -> vector<16xi32>
    %add3A_540 = arith.addi %masked_cumsum3A_539, %add3A_532 : vector<16xi32>
    %gt3A_541 = arith.constant 0 : i32
    %gt3A_542 = vector.broadcast %gt3A_541 : i32 to vector<16xi32>
    %gt3A_543 = arith.cmpi sgt, %add3A_540, %gt3A_542 : vector<16xi32>
    %convert_element_type3A_544 = arith.extui %gt3A_543 : vector<16xi1> to vector<16xi32>
    %convert_element_type3A_545 = arith.sitofp %convert_element_type3A_544 : vector<16xi32> to vector<16xf32>
    %swap3A_546 = arith.constant 64 : index
    %swap3A_547 = tpu.vector_load %arg11[%swap3A_546] {strides = array<i32>} : memref<128xf32, #tpu.memory_space<vmem>>, vector<16xf32>,
    tpu.vector_store %arg11[%swap3A_546], %convert_element_type3A_545 {strides = array<i32>} : memref<128xf32, #tpu.memory_space<vmem>>, vector<16xf32>,
    %reduce_sum3A_548 = arith.constant true
    %reduce_sum3A_549 = vector.broadcast %reduce_sum3A_548 : i1 to vector<16xi1>
    %reduce_sum3A_550 = tpu.scan <sum>, %get3A_536 masked %reduce_sum3A_549 : vector<16xi32>, vector<16xi1> -> vector<16xi32>
    %reduce_sum3A_551 = vector.extract %reduce_sum3A_550[15] : i32 from vector<16xi32>
    %broadcast_in_dim3A_552 = vector.broadcast %reduce_sum3A_551 : i32 to vector<16xi32>
    %add3A_553 = arith.addi %add3A_532, %broadcast_in_dim3A_552 : vector<16xi32>
    %convert_element_type3A_554 = arith.extui %gt3A_543 : vector<16xi1> to vector<16xi32>
    %add3A_555 = arith.addi %add3A_534, %convert_element_type3A_554 : vector<16xi32>
    %get3A_556 = arith.constant 80 : index
    %get3A_557 = tpu.vector_load %arg9[%get3A_556] {strides = array<i32>} : memref<128xi32, #tpu.memory_space<vmem>>, vector<16xi32>,
    %broadcast_in_dim3A_558 = arith.constant true
    %broadcast_in_dim3A_559 = vector.broadcast %broadcast_in_dim3A_558 : i1 to vector<16xi1>
    %masked_cumsum3A_560 = tpu.scan <sum>, %get3A_557 masked %broadcast_in_dim3A_559 : vector<16xi32>, vector<16xi1> -> vector<16xi32>
    %add3A_561 = arith.addi %masked_cumsum3A_560, %add3A_553 : vector<16xi32>
    %gt3A_562 = arith.constant 0 : i32
    %gt3A_563 = vector.broadcast %gt3A_562 : i32 to vector<16xi32>
    %gt3A_564 = arith.cmpi sgt, %add3A_561, %gt3A_563 : vector<16xi32>
    %convert_element_type3A_565 = arith.extui %gt3A_564 : vector<16xi1> to vector<16xi32>
    %convert_element_type3A_566 = arith.sitofp %convert_element_type3A_565 : vector<16xi32> to vector<16xf32>
    %swap3A_567 = arith.constant 80 : index
    %swap3A_568 = tpu.vector_load %arg11[%swap3A_567] {strides = array<i32>} : memref<128xf32, #tpu.memory_space<vmem>>, vector<16xf32>,
    tpu.vector_store %arg11[%swap3A_567], %convert_element_type3A_566 {strides = array<i32>} : memref<128xf32, #tpu.memory_space<vmem>>, vector<16xf32>,
    %reduce_sum3A_569 = arith.constant true
    %reduce_sum3A_570 = vector.broadcast %reduce_sum3A_569 : i1 to vector<16xi1>
    %reduce_sum3A_571 = tpu.scan <sum>, %get3A_557 masked %reduce_sum3A_570 : vector<16xi32>, vector<16xi1> -> vector<16xi32>
    %reduce_sum3A_572 = vector.extract %reduce_sum3A_571[15] : i32 from vector<16xi32>
    %broadcast_in_dim3A_573 = vector.broadcast %reduce_sum3A_572 : i32 to vector<16xi32>
    %add3A_574 = arith.addi %add3A_553, %broadcast_in_dim3A_573 : vector<16xi32>
    %convert_element_type3A_575 = arith.extui %gt3A_564 : vector<16xi1> to vector<16xi32>
    %add3A_576 = arith.addi %add3A_555, %convert_element_type3A_575 : vector<16xi32>
    %get3A_577 = arith.constant 96 : index
    %get3A_578 = tpu.vector_load %arg9[%get3A_577] {strides = array<i32>} : memref<128xi32, #tpu.memory_space<vmem>>, vector<16xi32>,
    %broadcast_in_dim3A_579 = arith.constant true
    %broadcast_in_dim3A_580 = vector.broadcast %broadcast_in_dim3A_579 : i1 to vector<16xi1>
    %masked_cumsum3A_581 = tpu.scan <sum>, %get3A_578 masked %broadcast_in_dim3A_580 : vector<16xi32>, vector<16xi1> -> vector<16xi32>
    %add3A_582 = arith.addi %masked_cumsum3A_581, %add3A_574 : vector<16xi32>
    %gt3A_583 = arith.constant 0 : i32
    %gt3A_584 = vector.broadcast %gt3A_583 : i32 to vector<16xi32>
    %gt3A_585 = arith.cmpi sgt, %add3A_582, %gt3A_584 : vector<16xi32>
    %convert_element_type3A_586 = arith.extui %gt3A_585 : vector<16xi1> to vector<16xi32>
    %convert_element_type3A_587 = arith.sitofp %convert_element_type3A_586 : vector<16xi32> to vector<16xf32>
    %swap3A_588 = arith.constant 96 : index
    %swap3A_589 = tpu.vector_load %arg11[%swap3A_588] {strides = array<i32>} : memref<128xf32, #tpu.memory_space<vmem>>, vector<16xf32>,
    tpu.vector_store %arg11[%swap3A_588], %convert_element_type3A_587 {strides = array<i32>} : memref<128xf32, #tpu.memory_space<vmem>>, vector<16xf32>,
    %reduce_sum3A_590 = arith.constant true
    %reduce_sum3A_591 = vector.broadcast %reduce_sum3A_590 : i1 to vector<16xi1>
    %reduce_sum3A_592 = tpu.scan <sum>, %get3A_578 masked %reduce_sum3A_591 : vector<16xi32>, vector<16xi1> -> vector<16xi32>
    %reduce_sum3A_593 = vector.extract %reduce_sum3A_592[15] : i32 from vector<16xi32>
    %broadcast_in_dim3A_594 = vector.broadcast %reduce_sum3A_593 : i32 to vector<16xi32>
    %add3A_595 = arith.addi %add3A_574, %broadcast_in_dim3A_594 : vector<16xi32>
    %convert_element_type3A_596 = arith.extui %gt3A_585 : vector<16xi1> to vector<16xi32>
    %add3A_597 = arith.addi %add3A_576, %convert_element_type3A_596 : vector<16xi32>
    %get3A_598 = arith.constant 112 : index
    %get3A_599 = tpu.vector_load %arg9[%get3A_598] {strides = array<i32>} : memref<128xi32, #tpu.memory_space<vmem>>, vector<16xi32>,
    %broadcast_in_dim3A_600 = arith.constant true
    %broadcast_in_dim3A_601 = vector.broadcast %broadcast_in_dim3A_600 : i1 to vector<16xi1>
    %masked_cumsum3A_602 = tpu.scan <sum>, %get3A_599 masked %broadcast_in_dim3A_601 : vector<16xi32>, vector<16xi1> -> vector<16xi32>
    %add3A_603 = arith.addi %masked_cumsum3A_602, %add3A_595 : vector<16xi32>
    %gt3A_604 = arith.constant 0 : i32
    %gt3A_605 = vector.broadcast %gt3A_604 : i32 to vector<16xi32>
    %gt3A_606 = arith.cmpi sgt, %add3A_603, %gt3A_605 : vector<16xi32>
    %convert_element_type3A_607 = arith.extui %gt3A_606 : vector<16xi1> to vector<16xi32>
    %convert_element_type3A_608 = arith.sitofp %convert_element_type3A_607 : vector<16xi32> to vector<16xf32>
    %swap3A_609 = arith.constant 112 : index
    %swap3A_610 = tpu.vector_load %arg11[%swap3A_609] {strides = array<i32>} : memref<128xf32, #tpu.memory_space<vmem>>, vector<16xf32>,
    tpu.vector_store %arg11[%swap3A_609], %convert_element_type3A_608 {strides = array<i32>} : memref<128xf32, #tpu.memory_space<vmem>>, vector<16xf32>,
    %reduce_sum3A_611 = arith.constant true
    %reduce_sum3A_612 = vector.broadcast %reduce_sum3A_611 : i1 to vector<16xi1>
    %reduce_sum3A_613 = tpu.scan <sum>, %get3A_599 masked %reduce_sum3A_612 : vector<16xi32>, vector<16xi1> -> vector<16xi32>
    %reduce_sum3A_614 = vector.extract %reduce_sum3A_613[15] : i32 from vector<16xi32>
    %broadcast_in_dim3A_615 = vector.broadcast %reduce_sum3A_614 : i32 to vector<16xi32>
    %add3A_616 = arith.addi %add3A_595, %broadcast_in_dim3A_615 : vector<16xi32>
    %convert_element_type3A_617 = arith.extui %gt3A_606 : vector<16xi1> to vector<16xi32>
    %add3A_618 = arith.addi %add3A_597, %convert_element_type3A_617 : vector<16xi32>
    %reduce_sum3A_619 = arith.constant true
    %reduce_sum3A_620 = vector.broadcast %reduce_sum3A_619 : i1 to vector<16xi1>
    %reduce_sum3A_621 = tpu.scan <sum>, %add3A_310 masked %reduce_sum3A_620 : vector<16xi32>, vector<16xi1> -> vector<16xi32>
    %reduce_sum3A_622 = vector.extract %reduce_sum3A_621[15] : i32 from vector<16xi32>
    %broadcast_in_dim3A_623 = vector.broadcast %reduce_sum3A_622 : i32 to vector<16xi32>
    %reduce_sum3A_624 = arith.constant true
    %reduce_sum3A_625 = vector.broadcast %reduce_sum3A_624 : i1 to vector<16xi1>
    %reduce_sum3A_626 = tpu.scan <sum>, %add3A_618 masked %reduce_sum3A_625 : vector<16xi32>, vector<16xi1> -> vector<16xi32>
    %reduce_sum3A_627 = vector.extract %reduce_sum3A_626[15] : i32 from vector<16xi32>
    %broadcast_in_dim3A_628 = vector.broadcast %reduce_sum3A_627 : i32 to vector<16xi32>
    %mul3A_629 = arith.muli %broadcast_in_dim3A_623, %broadcast_in_dim3A_628 : vector<16xi32>
    %mul3A_630 = arith.constant 2 : i32
    %mul3A_631 = vector.broadcast %mul3A_630 : i32 to vector<16xi32>
    %mul3A_632 = arith.muli %mul3A_629, %mul3A_631 : vector<16xi32>
    %gt3A_633 = arith.constant 0 : i32
    %gt3A_634 = vector.broadcast %gt3A_633 : i32 to vector<16xi32>
    %gt3A_635 = arith.cmpi sgt, %mul3A_632, %gt3A_634 : vector<16xi32>
    %convert_element_type3A_636 = arith.sitofp %mul3A_632 : vector<16xi32> to vector<16xf32>
    %jit3A_637 = arith.constant 1.000000e+00 : f32
    %broadcast_in_dim3A_638 = vector.broadcast %jit3A_637 : f32 to vector<16xf32>
    %select_n3A_639 = arith.select %gt3A_635, %convert_element_type3A_636, %broadcast_in_dim3A_638 : vector<16xi1>, vector<16xf32>
    %swap3A_640 = arith.constant 0 : index
    %swap3A_641 = tpu.vector_load %arg13[%swap3A_640] {strides = array<i32>} : memref<16xf32, #tpu.memory_space<vmem>>, vector<16xf32>,
    tpu.vector_store %arg13[%swap3A_640], %select_n3A_639 {strides = array<i32>} : memref<16xf32, #tpu.memory_space<vmem>>, vector<16xf32>,
    %broadcast_in_dim3A_642 = arith.constant 0.000000e+00 : f32
    %broadcast_in_dim3A_643 = vector.broadcast %broadcast_in_dim3A_642 : f32 to vector<16xf32>
    %get3A_644 = arith.index_cast %mul3A_0 : i32 to index
    %get3A_645 = tpu.vector_load %arg10[%get3A_644] {strides = array<i32>} : memref<144xf32, #tpu.memory_space<vmem>>, vector<16xf32>,
    %slice3A = vector.extract_strided_slice %get3A_645 {offsets = [0], sizes = [1], strides = [1]} : vector<16xf32> to vector<1xf32>
    %squeeze3A = vector.extract %slice3A[0] : f32 from vector<1xf32>
    %gt3A_646 = arith.constant 0.000000e+00 : f32
    %gt3A_647 = arith.cmpf ogt, %squeeze3A, %gt3A_646 : f32
    %slice3A_648 = vector.extract_strided_slice %get3A_645 {offsets = [1], sizes = [1], strides = [1]} : vector<16xf32> to vector<1xf32>
    %squeeze3A_649 = vector.extract %slice3A_648[0] : f32 from vector<1xf32>
    %gt3A_650 = arith.constant 0.000000e+00 : f32
    %gt3A_651 = arith.cmpf ogt, %squeeze3A_649, %gt3A_650 : f32
    %slice3A_652 = vector.extract_strided_slice %get3A_645 {offsets = [2], sizes = [1], strides = [1]} : vector<16xf32> to vector<1xf32>
    %squeeze3A_653 = vector.extract %slice3A_652[0] : f32 from vector<1xf32>
    %gt3A_654 = arith.constant 0.000000e+00 : f32
    %gt3A_655 = arith.cmpf ogt, %squeeze3A_653, %gt3A_654 : f32
    %slice3A_656 = vector.extract_strided_slice %get3A_645 {offsets = [3], sizes = [1], strides = [1]} : vector<16xf32> to vector<1xf32>
    %squeeze3A_657 = vector.extract %slice3A_656[0] : f32 from vector<1xf32>
    %gt3A_658 = arith.constant 0.000000e+00 : f32
    %gt3A_659 = arith.cmpf ogt, %squeeze3A_657, %gt3A_658 : f32
    %slice3A_660 = vector.extract_strided_slice %get3A_645 {offsets = [4], sizes = [1], strides = [1]} : vector<16xf32> to vector<1xf32>
    %squeeze3A_661 = vector.extract %slice3A_660[0] : f32 from vector<1xf32>
    %gt3A_662 = arith.constant 0.000000e+00 : f32
    %gt3A_663 = arith.cmpf ogt, %squeeze3A_661, %gt3A_662 : f32
    %slice3A_664 = vector.extract_strided_slice %get3A_645 {offsets = [5], sizes = [1], strides = [1]} : vector<16xf32> to vector<1xf32>
    %squeeze3A_665 = vector.extract %slice3A_664[0] : f32 from vector<1xf32>
    %gt3A_666 = arith.constant 0.000000e+00 : f32
    %gt3A_667 = arith.cmpf ogt, %squeeze3A_665, %gt3A_666 : f32
    %slice3A_668 = vector.extract_strided_slice %get3A_645 {offsets = [6], sizes = [1], strides = [1]} : vector<16xf32> to vector<1xf32>
    %squeeze3A_669 = vector.extract %slice3A_668[0] : f32 from vector<1xf32>
    %gt3A_670 = arith.constant 0.000000e+00 : f32
    %gt3A_671 = arith.cmpf ogt, %squeeze3A_669, %gt3A_670 : f32
    %slice3A_672 = vector.extract_strided_slice %get3A_645 {offsets = [7], sizes = [1], strides = [1]} : vector<16xf32> to vector<1xf32>
    %squeeze3A_673 = vector.extract %slice3A_672[0] : f32 from vector<1xf32>
    %gt3A_674 = arith.constant 0.000000e+00 : f32
    %gt3A_675 = arith.cmpf ogt, %squeeze3A_673, %gt3A_674 : f32
    %get3A_676 = arith.constant 0 : index
    %get3A_677 = tpu.vector_load %arg11[%get3A_676] {strides = array<i32>} : memref<128xf32, #tpu.memory_space<vmem>>, vector<16xf32>,
    %select_n3A_678 = arith.select %gt3A_647, %get3A_677, %broadcast_in_dim3A_643 : vector<16xf32>
    %swap3A_679 = arith.constant 0 : i32
    %swap3A_680 = arith.index_cast %swap3A_679 : i32 to index
    %swap3A_681 = arith.constant 0 : index
    %swap3A_682 = tpu.vector_load %arg12[%swap3A_680, %swap3A_681] {strides = array<i32>} : memref<8x128xf32, #tpu.memory_space<vmem>>, vector<16xf32>,
    tpu.vector_store %arg12[%swap3A_680, %swap3A_681], %select_n3A_678 {strides = array<i32>} : memref<8x128xf32, #tpu.memory_space<vmem>>, vector<16xf32>,
    %select_n3A_683 = arith.select %gt3A_651, %get3A_677, %broadcast_in_dim3A_643 : vector<16xf32>
    %swap3A_684 = arith.constant 1 : i32
    %swap3A_685 = arith.index_cast %swap3A_684 : i32 to index
    %swap3A_686 = arith.constant 0 : index
    %swap3A_687 = tpu.vector_load %arg12[%swap3A_685, %swap3A_686] {strides = array<i32>} : memref<8x128xf32, #tpu.memory_space<vmem>>, vector<16xf32>,
    tpu.vector_store %arg12[%swap3A_685, %swap3A_686], %select_n3A_683 {strides = array<i32>} : memref<8x128xf32, #tpu.memory_space<vmem>>, vector<16xf32>,
    %select_n3A_688 = arith.select %gt3A_655, %get3A_677, %broadcast_in_dim3A_643 : vector<16xf32>
    %swap3A_689 = arith.constant 2 : i32
    %swap3A_690 = arith.index_cast %swap3A_689 : i32 to index
    %swap3A_691 = arith.constant 0 : index
    %swap3A_692 = tpu.vector_load %arg12[%swap3A_690, %swap3A_691] {strides = array<i32>} : memref<8x128xf32, #tpu.memory_space<vmem>>, vector<16xf32>,
    tpu.vector_store %arg12[%swap3A_690, %swap3A_691], %select_n3A_688 {strides = array<i32>} : memref<8x128xf32, #tpu.memory_space<vmem>>, vector<16xf32>,
    %select_n3A_693 = arith.select %gt3A_659, %get3A_677, %broadcast_in_dim3A_643 : vector<16xf32>
    %swap3A_694 = arith.constant 3 : i32
    %swap3A_695 = arith.index_cast %swap3A_694 : i32 to index
    %swap3A_696 = arith.constant 0 : index
    %swap3A_697 = tpu.vector_load %arg12[%swap3A_695, %swap3A_696] {strides = array<i32>} : memref<8x128xf32, #tpu.memory_space<vmem>>, vector<16xf32>,
    tpu.vector_store %arg12[%swap3A_695, %swap3A_696], %select_n3A_693 {strides = array<i32>} : memref<8x128xf32, #tpu.memory_space<vmem>>, vector<16xf32>,
    %select_n3A_698 = arith.select %gt3A_663, %get3A_677, %broadcast_in_dim3A_643 : vector<16xf32>
    %swap3A_699 = arith.constant 4 : i32
    %swap3A_700 = arith.index_cast %swap3A_699 : i32 to index
    %swap3A_701 = arith.constant 0 : index
    %swap3A_702 = tpu.vector_load %arg12[%swap3A_700, %swap3A_701] {strides = array<i32>} : memref<8x128xf32, #tpu.memory_space<vmem>>, vector<16xf32>,
    tpu.vector_store %arg12[%swap3A_700, %swap3A_701], %select_n3A_698 {strides = array<i32>} : memref<8x128xf32, #tpu.memory_space<vmem>>, vector<16xf32>,
    %select_n3A_703 = arith.select %gt3A_667, %get3A_677, %broadcast_in_dim3A_643 : vector<16xf32>
    %swap3A_704 = arith.constant 5 : i32
    %swap3A_705 = arith.index_cast %swap3A_704 : i32 to index
    %swap3A_706 = arith.constant 0 : index
    %swap3A_707 = tpu.vector_load %arg12[%swap3A_705, %swap3A_706] {strides = array<i32>} : memref<8x128xf32, #tpu.memory_space<vmem>>, vector<16xf32>,
    tpu.vector_store %arg12[%swap3A_705, %swap3A_706], %select_n3A_703 {strides = array<i32>} : memref<8x128xf32, #tpu.memory_space<vmem>>, vector<16xf32>,
    %select_n3A_708 = arith.select %gt3A_671, %get3A_677, %broadcast_in_dim3A_643 : vector<16xf32>
    %swap3A_709 = arith.constant 6 : i32
    %swap3A_710 = arith.index_cast %swap3A_709 : i32 to index
    %swap3A_711 = arith.constant 0 : index
    %swap3A_712 = tpu.vector_load %arg12[%swap3A_710, %swap3A_711] {strides = array<i32>} : memref<8x128xf32, #tpu.memory_space<vmem>>, vector<16xf32>,
    tpu.vector_store %arg12[%swap3A_710, %swap3A_711], %select_n3A_708 {strides = array<i32>} : memref<8x128xf32, #tpu.memory_space<vmem>>, vector<16xf32>,
    %select_n3A_713 = arith.select %gt3A_675, %get3A_677, %broadcast_in_dim3A_643 : vector<16xf32>
    %swap3A_714 = arith.constant 7 : i32
    %swap3A_715 = arith.index_cast %swap3A_714 : i32 to index
    %swap3A_716 = arith.constant 0 : index
    %swap3A_717 = tpu.vector_load %arg12[%swap3A_715, %swap3A_716] {strides = array<i32>} : memref<8x128xf32, #tpu.memory_space<vmem>>, vector<16xf32>,
    tpu.vector_store %arg12[%swap3A_715, %swap3A_716], %select_n3A_713 {strides = array<i32>} : memref<8x128xf32, #tpu.memory_space<vmem>>, vector<16xf32>,
    %get3A_718 = arith.constant 16 : index
    %get3A_719 = tpu.vector_load %arg11[%get3A_718] {strides = array<i32>} : memref<128xf32, #tpu.memory_space<vmem>>, vector<16xf32>,
    %select_n3A_720 = arith.select %gt3A_647, %get3A_719, %broadcast_in_dim3A_643 : vector<16xf32>
    %swap3A_721 = arith.constant 0 : i32
    %swap3A_722 = arith.index_cast %swap3A_721 : i32 to index
    %swap3A_723 = arith.constant 16 : index
    %swap3A_724 = tpu.vector_load %arg12[%swap3A_722, %swap3A_723] {strides = array<i32>} : memref<8x128xf32, #tpu.memory_space<vmem>>, vector<16xf32>,
    tpu.vector_store %arg12[%swap3A_722, %swap3A_723], %select_n3A_720 {strides = array<i32>} : memref<8x128xf32, #tpu.memory_space<vmem>>, vector<16xf32>,
    %select_n3A_725 = arith.select %gt3A_651, %get3A_719, %broadcast_in_dim3A_643 : vector<16xf32>
    %swap3A_726 = arith.constant 1 : i32
    %swap3A_727 = arith.index_cast %swap3A_726 : i32 to index
    %swap3A_728 = arith.constant 16 : index
    %swap3A_729 = tpu.vector_load %arg12[%swap3A_727, %swap3A_728] {strides = array<i32>} : memref<8x128xf32, #tpu.memory_space<vmem>>, vector<16xf32>,
    tpu.vector_store %arg12[%swap3A_727, %swap3A_728], %select_n3A_725 {strides = array<i32>} : memref<8x128xf32, #tpu.memory_space<vmem>>, vector<16xf32>,
    %select_n3A_730 = arith.select %gt3A_655, %get3A_719, %broadcast_in_dim3A_643 : vector<16xf32>
    %swap3A_731 = arith.constant 2 : i32
    %swap3A_732 = arith.index_cast %swap3A_731 : i32 to index
    %swap3A_733 = arith.constant 16 : index
    %swap3A_734 = tpu.vector_load %arg12[%swap3A_732, %swap3A_733] {strides = array<i32>} : memref<8x128xf32, #tpu.memory_space<vmem>>, vector<16xf32>,
    tpu.vector_store %arg12[%swap3A_732, %swap3A_733], %select_n3A_730 {strides = array<i32>} : memref<8x128xf32, #tpu.memory_space<vmem>>, vector<16xf32>,
    %select_n3A_735 = arith.select %gt3A_659, %get3A_719, %broadcast_in_dim3A_643 : vector<16xf32>
    %swap3A_736 = arith.constant 3 : i32
    %swap3A_737 = arith.index_cast %swap3A_736 : i32 to index
    %swap3A_738 = arith.constant 16 : index
    %swap3A_739 = tpu.vector_load %arg12[%swap3A_737, %swap3A_738] {strides = array<i32>} : memref<8x128xf32, #tpu.memory_space<vmem>>, vector<16xf32>,
    tpu.vector_store %arg12[%swap3A_737, %swap3A_738], %select_n3A_735 {strides = array<i32>} : memref<8x128xf32, #tpu.memory_space<vmem>>, vector<16xf32>,
    %select_n3A_740 = arith.select %gt3A_663, %get3A_719, %broadcast_in_dim3A_643 : vector<16xf32>
    %swap3A_741 = arith.constant 4 : i32
    %swap3A_742 = arith.index_cast %swap3A_741 : i32 to index
    %swap3A_743 = arith.constant 16 : index
    %swap3A_744 = tpu.vector_load %arg12[%swap3A_742, %swap3A_743] {strides = array<i32>} : memref<8x128xf32, #tpu.memory_space<vmem>>, vector<16xf32>,
    tpu.vector_store %arg12[%swap3A_742, %swap3A_743], %select_n3A_740 {strides = array<i32>} : memref<8x128xf32, #tpu.memory_space<vmem>>, vector<16xf32>,
    %select_n3A_745 = arith.select %gt3A_667, %get3A_719, %broadcast_in_dim3A_643 : vector<16xf32>
    %swap3A_746 = arith.constant 5 : i32
    %swap3A_747 = arith.index_cast %swap3A_746 : i32 to index
    %swap3A_748 = arith.constant 16 : index
    %swap3A_749 = tpu.vector_load %arg12[%swap3A_747, %swap3A_748] {strides = array<i32>} : memref<8x128xf32, #tpu.memory_space<vmem>>, vector<16xf32>,
    tpu.vector_store %arg12[%swap3A_747, %swap3A_748], %select_n3A_745 {strides = array<i32>} : memref<8x128xf32, #tpu.memory_space<vmem>>, vector<16xf32>,
    %select_n3A_750 = arith.select %gt3A_671, %get3A_719, %broadcast_in_dim3A_643 : vector<16xf32>
    %swap3A_751 = arith.constant 6 : i32
    %swap3A_752 = arith.index_cast %swap3A_751 : i32 to index
    %swap3A_753 = arith.constant 16 : index
    %swap3A_754 = tpu.vector_load %arg12[%swap3A_752, %swap3A_753] {strides = array<i32>} : memref<8x128xf32, #tpu.memory_space<vmem>>, vector<16xf32>,
    tpu.vector_store %arg12[%swap3A_752, %swap3A_753], %select_n3A_750 {strides = array<i32>} : memref<8x128xf32, #tpu.memory_space<vmem>>, vector<16xf32>,
    %select_n3A_755 = arith.select %gt3A_675, %get3A_719, %broadcast_in_dim3A_643 : vector<16xf32>
    %swap3A_756 = arith.constant 7 : i32
    %swap3A_757 = arith.index_cast %swap3A_756 : i32 to index
    %swap3A_758 = arith.constant 16 : index
    %swap3A_759 = tpu.vector_load %arg12[%swap3A_757, %swap3A_758] {strides = array<i32>} : memref<8x128xf32, #tpu.memory_space<vmem>>, vector<16xf32>,
    tpu.vector_store %arg12[%swap3A_757, %swap3A_758], %select_n3A_755 {strides = array<i32>} : memref<8x128xf32, #tpu.memory_space<vmem>>, vector<16xf32>,
    %get3A_760 = arith.constant 32 : index
    %get3A_761 = tpu.vector_load %arg11[%get3A_760] {strides = array<i32>} : memref<128xf32, #tpu.memory_space<vmem>>, vector<16xf32>,
    %select_n3A_762 = arith.select %gt3A_647, %get3A_761, %broadcast_in_dim3A_643 : vector<16xf32>
    %swap3A_763 = arith.constant 0 : i32
    %swap3A_764 = arith.index_cast %swap3A_763 : i32 to index
    %swap3A_765 = arith.constant 32 : index
    %swap3A_766 = tpu.vector_load %arg12[%swap3A_764, %swap3A_765] {strides = array<i32>} : memref<8x128xf32, #tpu.memory_space<vmem>>, vector<16xf32>,
    tpu.vector_store %arg12[%swap3A_764, %swap3A_765], %select_n3A_762 {strides = array<i32>} : memref<8x128xf32, #tpu.memory_space<vmem>>, vector<16xf32>,
    %select_n3A_767 = arith.select %gt3A_651, %get3A_761, %broadcast_in_dim3A_643 : vector<16xf32>
    %swap3A_768 = arith.constant 1 : i32
    %swap3A_769 = arith.index_cast %swap3A_768 : i32 to index
    %swap3A_770 = arith.constant 32 : index
    %swap3A_771 = tpu.vector_load %arg12[%swap3A_769, %swap3A_770] {strides = array<i32>} : memref<8x128xf32, #tpu.memory_space<vmem>>, vector<16xf32>,
    tpu.vector_store %arg12[%swap3A_769, %swap3A_770], %select_n3A_767 {strides = array<i32>} : memref<8x128xf32, #tpu.memory_space<vmem>>, vector<16xf32>,
    %select_n3A_772 = arith.select %gt3A_655, %get3A_761, %broadcast_in_dim3A_643 : vector<16xf32>
    %swap3A_773 = arith.constant 2 : i32
    %swap3A_774 = arith.index_cast %swap3A_773 : i32 to index
    %swap3A_775 = arith.constant 32 : index
    %swap3A_776 = tpu.vector_load %arg12[%swap3A_774, %swap3A_775] {strides = array<i32>} : memref<8x128xf32, #tpu.memory_space<vmem>>, vector<16xf32>,
    tpu.vector_store %arg12[%swap3A_774, %swap3A_775], %select_n3A_772 {strides = array<i32>} : memref<8x128xf32, #tpu.memory_space<vmem>>, vector<16xf32>,
    %select_n3A_777 = arith.select %gt3A_659, %get3A_761, %broadcast_in_dim3A_643 : vector<16xf32>
    %swap3A_778 = arith.constant 3 : i32
    %swap3A_779 = arith.index_cast %swap3A_778 : i32 to index
    %swap3A_780 = arith.constant 32 : index
    %swap3A_781 = tpu.vector_load %arg12[%swap3A_779, %swap3A_780] {strides = array<i32>} : memref<8x128xf32, #tpu.memory_space<vmem>>, vector<16xf32>,
    tpu.vector_store %arg12[%swap3A_779, %swap3A_780], %select_n3A_777 {strides = array<i32>} : memref<8x128xf32, #tpu.memory_space<vmem>>, vector<16xf32>,
    %select_n3A_782 = arith.select %gt3A_663, %get3A_761, %broadcast_in_dim3A_643 : vector<16xf32>
    %swap3A_783 = arith.constant 4 : i32
    %swap3A_784 = arith.index_cast %swap3A_783 : i32 to index
    %swap3A_785 = arith.constant 32 : index
    %swap3A_786 = tpu.vector_load %arg12[%swap3A_784, %swap3A_785] {strides = array<i32>} : memref<8x128xf32, #tpu.memory_space<vmem>>, vector<16xf32>,
    tpu.vector_store %arg12[%swap3A_784, %swap3A_785], %select_n3A_782 {strides = array<i32>} : memref<8x128xf32, #tpu.memory_space<vmem>>, vector<16xf32>,
    %select_n3A_787 = arith.select %gt3A_667, %get3A_761, %broadcast_in_dim3A_643 : vector<16xf32>
    %swap3A_788 = arith.constant 5 : i32
    %swap3A_789 = arith.index_cast %swap3A_788 : i32 to index
    %swap3A_790 = arith.constant 32 : index
    %swap3A_791 = tpu.vector_load %arg12[%swap3A_789, %swap3A_790] {strides = array<i32>} : memref<8x128xf32, #tpu.memory_space<vmem>>, vector<16xf32>,
    tpu.vector_store %arg12[%swap3A_789, %swap3A_790], %select_n3A_787 {strides = array<i32>} : memref<8x128xf32, #tpu.memory_space<vmem>>, vector<16xf32>,
    %select_n3A_792 = arith.select %gt3A_671, %get3A_761, %broadcast_in_dim3A_643 : vector<16xf32>
    %swap3A_793 = arith.constant 6 : i32
    %swap3A_794 = arith.index_cast %swap3A_793 : i32 to index
    %swap3A_795 = arith.constant 32 : index
    %swap3A_796 = tpu.vector_load %arg12[%swap3A_794, %swap3A_795] {strides = array<i32>} : memref<8x128xf32, #tpu.memory_space<vmem>>, vector<16xf32>,
    tpu.vector_store %arg12[%swap3A_794, %swap3A_795], %select_n3A_792 {strides = array<i32>} : memref<8x128xf32, #tpu.memory_space<vmem>>, vector<16xf32>,
    %select_n3A_797 = arith.select %gt3A_675, %get3A_761, %broadcast_in_dim3A_643 : vector<16xf32>
    %swap3A_798 = arith.constant 7 : i32
    %swap3A_799 = arith.index_cast %swap3A_798 : i32 to index
    %swap3A_800 = arith.constant 32 : index
    %swap3A_801 = tpu.vector_load %arg12[%swap3A_799, %swap3A_800] {strides = array<i32>} : memref<8x128xf32, #tpu.memory_space<vmem>>, vector<16xf32>,
    tpu.vector_store %arg12[%swap3A_799, %swap3A_800], %select_n3A_797 {strides = array<i32>} : memref<8x128xf32, #tpu.memory_space<vmem>>, vector<16xf32>,
    %get3A_802 = arith.constant 48 : index
    %get3A_803 = tpu.vector_load %arg11[%get3A_802] {strides = array<i32>} : memref<128xf32, #tpu.memory_space<vmem>>, vector<16xf32>,
    %select_n3A_804 = arith.select %gt3A_647, %get3A_803, %broadcast_in_dim3A_643 : vector<16xf32>
    %swap3A_805 = arith.constant 0 : i32
    %swap3A_806 = arith.index_cast %swap3A_805 : i32 to index
    %swap3A_807 = arith.constant 48 : index
    %swap3A_808 = tpu.vector_load %arg12[%swap3A_806, %swap3A_807] {strides = array<i32>} : memref<8x128xf32, #tpu.memory_space<vmem>>, vector<16xf32>,
    tpu.vector_store %arg12[%swap3A_806, %swap3A_807], %select_n3A_804 {strides = array<i32>} : memref<8x128xf32, #tpu.memory_space<vmem>>, vector<16xf32>,
    %select_n3A_809 = arith.select %gt3A_651, %get3A_803, %broadcast_in_dim3A_643 : vector<16xf32>
    %swap3A_810 = arith.constant 1 : i32
    %swap3A_811 = arith.index_cast %swap3A_810 : i32 to index
    %swap3A_812 = arith.constant 48 : index
    %swap3A_813 = tpu.vector_load %arg12[%swap3A_811, %swap3A_812] {strides = array<i32>} : memref<8x128xf32, #tpu.memory_space<vmem>>, vector<16xf32>,
    tpu.vector_store %arg12[%swap3A_811, %swap3A_812], %select_n3A_809 {strides = array<i32>} : memref<8x128xf32, #tpu.memory_space<vmem>>, vector<16xf32>,
    %select_n3A_814 = arith.select %gt3A_655, %get3A_803, %broadcast_in_dim3A_643 : vector<16xf32>
    %swap3A_815 = arith.constant 2 : i32
    %swap3A_816 = arith.index_cast %swap3A_815 : i32 to index
    %swap3A_817 = arith.constant 48 : index
    %swap3A_818 = tpu.vector_load %arg12[%swap3A_816, %swap3A_817] {strides = array<i32>} : memref<8x128xf32, #tpu.memory_space<vmem>>, vector<16xf32>,
    tpu.vector_store %arg12[%swap3A_816, %swap3A_817], %select_n3A_814 {strides = array<i32>} : memref<8x128xf32, #tpu.memory_space<vmem>>, vector<16xf32>,
    %select_n3A_819 = arith.select %gt3A_659, %get3A_803, %broadcast_in_dim3A_643 : vector<16xf32>
    %swap3A_820 = arith.constant 3 : i32
    %swap3A_821 = arith.index_cast %swap3A_820 : i32 to index
    %swap3A_822 = arith.constant 48 : index
    %swap3A_823 = tpu.vector_load %arg12[%swap3A_821, %swap3A_822] {strides = array<i32>} : memref<8x128xf32, #tpu.memory_space<vmem>>, vector<16xf32>,
    tpu.vector_store %arg12[%swap3A_821, %swap3A_822], %select_n3A_819 {strides = array<i32>} : memref<8x128xf32, #tpu.memory_space<vmem>>, vector<16xf32>,
    %select_n3A_824 = arith.select %gt3A_663, %get3A_803, %broadcast_in_dim3A_643 : vector<16xf32>
    %swap3A_825 = arith.constant 4 : i32
    %swap3A_826 = arith.index_cast %swap3A_825 : i32 to index
    %swap3A_827 = arith.constant 48 : index
    %swap3A_828 = tpu.vector_load %arg12[%swap3A_826, %swap3A_827] {strides = array<i32>} : memref<8x128xf32, #tpu.memory_space<vmem>>, vector<16xf32>,
    tpu.vector_store %arg12[%swap3A_826, %swap3A_827], %select_n3A_824 {strides = array<i32>} : memref<8x128xf32, #tpu.memory_space<vmem>>, vector<16xf32>,
    %select_n3A_829 = arith.select %gt3A_667, %get3A_803, %broadcast_in_dim3A_643 : vector<16xf32>
    %swap3A_830 = arith.constant 5 : i32
    %swap3A_831 = arith.index_cast %swap3A_830 : i32 to index
    %swap3A_832 = arith.constant 48 : index
    %swap3A_833 = tpu.vector_load %arg12[%swap3A_831, %swap3A_832] {strides = array<i32>} : memref<8x128xf32, #tpu.memory_space<vmem>>, vector<16xf32>,
    tpu.vector_store %arg12[%swap3A_831, %swap3A_832], %select_n3A_829 {strides = array<i32>} : memref<8x128xf32, #tpu.memory_space<vmem>>, vector<16xf32>,
    %select_n3A_834 = arith.select %gt3A_671, %get3A_803, %broadcast_in_dim3A_643 : vector<16xf32>
    %swap3A_835 = arith.constant 6 : i32
    %swap3A_836 = arith.index_cast %swap3A_835 : i32 to index
    %swap3A_837 = arith.constant 48 : index
    %swap3A_838 = tpu.vector_load %arg12[%swap3A_836, %swap3A_837] {strides = array<i32>} : memref<8x128xf32, #tpu.memory_space<vmem>>, vector<16xf32>,
    tpu.vector_store %arg12[%swap3A_836, %swap3A_837], %select_n3A_834 {strides = array<i32>} : memref<8x128xf32, #tpu.memory_space<vmem>>, vector<16xf32>,
    %select_n3A_839 = arith.select %gt3A_675, %get3A_803, %broadcast_in_dim3A_643 : vector<16xf32>
    %swap3A_840 = arith.constant 7 : i32
    %swap3A_841 = arith.index_cast %swap3A_840 : i32 to index
    %swap3A_842 = arith.constant 48 : index
    %swap3A_843 = tpu.vector_load %arg12[%swap3A_841, %swap3A_842] {strides = array<i32>} : memref<8x128xf32, #tpu.memory_space<vmem>>, vector<16xf32>,
    tpu.vector_store %arg12[%swap3A_841, %swap3A_842], %select_n3A_839 {strides = array<i32>} : memref<8x128xf32, #tpu.memory_space<vmem>>, vector<16xf32>,
    %get3A_844 = arith.constant 64 : index
    %get3A_845 = tpu.vector_load %arg11[%get3A_844] {strides = array<i32>} : memref<128xf32, #tpu.memory_space<vmem>>, vector<16xf32>,
    %select_n3A_846 = arith.select %gt3A_647, %get3A_845, %broadcast_in_dim3A_643 : vector<16xf32>
    %swap3A_847 = arith.constant 0 : i32
    %swap3A_848 = arith.index_cast %swap3A_847 : i32 to index
    %swap3A_849 = arith.constant 64 : index
    %swap3A_850 = tpu.vector_load %arg12[%swap3A_848, %swap3A_849] {strides = array<i32>} : memref<8x128xf32, #tpu.memory_space<vmem>>, vector<16xf32>,
    tpu.vector_store %arg12[%swap3A_848, %swap3A_849], %select_n3A_846 {strides = array<i32>} : memref<8x128xf32, #tpu.memory_space<vmem>>, vector<16xf32>,
    %select_n3A_851 = arith.select %gt3A_651, %get3A_845, %broadcast_in_dim3A_643 : vector<16xf32>
    %swap3A_852 = arith.constant 1 : i32
    %swap3A_853 = arith.index_cast %swap3A_852 : i32 to index
    %swap3A_854 = arith.constant 64 : index
    %swap3A_855 = tpu.vector_load %arg12[%swap3A_853, %swap3A_854] {strides = array<i32>} : memref<8x128xf32, #tpu.memory_space<vmem>>, vector<16xf32>,
    tpu.vector_store %arg12[%swap3A_853, %swap3A_854], %select_n3A_851 {strides = array<i32>} : memref<8x128xf32, #tpu.memory_space<vmem>>, vector<16xf32>,
    %select_n3A_856 = arith.select %gt3A_655, %get3A_845, %broadcast_in_dim3A_643 : vector<16xf32>
    %swap3A_857 = arith.constant 2 : i32
    %swap3A_858 = arith.index_cast %swap3A_857 : i32 to index
    %swap3A_859 = arith.constant 64 : index
    %swap3A_860 = tpu.vector_load %arg12[%swap3A_858, %swap3A_859] {strides = array<i32>} : memref<8x128xf32, #tpu.memory_space<vmem>>, vector<16xf32>,
    tpu.vector_store %arg12[%swap3A_858, %swap3A_859], %select_n3A_856 {strides = array<i32>} : memref<8x128xf32, #tpu.memory_space<vmem>>, vector<16xf32>,
    %select_n3A_861 = arith.select %gt3A_659, %get3A_845, %broadcast_in_dim3A_643 : vector<16xf32>
    %swap3A_862 = arith.constant 3 : i32
    %swap3A_863 = arith.index_cast %swap3A_862 : i32 to index
    %swap3A_864 = arith.constant 64 : index
    %swap3A_865 = tpu.vector_load %arg12[%swap3A_863, %swap3A_864] {strides = array<i32>} : memref<8x128xf32, #tpu.memory_space<vmem>>, vector<16xf32>,
    tpu.vector_store %arg12[%swap3A_863, %swap3A_864], %select_n3A_861 {strides = array<i32>} : memref<8x128xf32, #tpu.memory_space<vmem>>, vector<16xf32>,
    %select_n3A_866 = arith.select %gt3A_663, %get3A_845, %broadcast_in_dim3A_643 : vector<16xf32>
    %swap3A_867 = arith.constant 4 : i32
    %swap3A_868 = arith.index_cast %swap3A_867 : i32 to index
    %swap3A_869 = arith.constant 64 : index
    %swap3A_870 = tpu.vector_load %arg12[%swap3A_868, %swap3A_869] {strides = array<i32>} : memref<8x128xf32, #tpu.memory_space<vmem>>, vector<16xf32>,
    tpu.vector_store %arg12[%swap3A_868, %swap3A_869], %select_n3A_866 {strides = array<i32>} : memref<8x128xf32, #tpu.memory_space<vmem>>, vector<16xf32>,
    %select_n3A_871 = arith.select %gt3A_667, %get3A_845, %broadcast_in_dim3A_643 : vector<16xf32>
    %swap3A_872 = arith.constant 5 : i32
    %swap3A_873 = arith.index_cast %swap3A_872 : i32 to index
    %swap3A_874 = arith.constant 64 : index
    %swap3A_875 = tpu.vector_load %arg12[%swap3A_873, %swap3A_874] {strides = array<i32>} : memref<8x128xf32, #tpu.memory_space<vmem>>, vector<16xf32>,
    tpu.vector_store %arg12[%swap3A_873, %swap3A_874], %select_n3A_871 {strides = array<i32>} : memref<8x128xf32, #tpu.memory_space<vmem>>, vector<16xf32>,
    %select_n3A_876 = arith.select %gt3A_671, %get3A_845, %broadcast_in_dim3A_643 : vector<16xf32>
    %swap3A_877 = arith.constant 6 : i32
    %swap3A_878 = arith.index_cast %swap3A_877 : i32 to index
    %swap3A_879 = arith.constant 64 : index
    %swap3A_880 = tpu.vector_load %arg12[%swap3A_878, %swap3A_879] {strides = array<i32>} : memref<8x128xf32, #tpu.memory_space<vmem>>, vector<16xf32>,
    tpu.vector_store %arg12[%swap3A_878, %swap3A_879], %select_n3A_876 {strides = array<i32>} : memref<8x128xf32, #tpu.memory_space<vmem>>, vector<16xf32>,
    %select_n3A_881 = arith.select %gt3A_675, %get3A_845, %broadcast_in_dim3A_643 : vector<16xf32>
    %swap3A_882 = arith.constant 7 : i32
    %swap3A_883 = arith.index_cast %swap3A_882 : i32 to index
    %swap3A_884 = arith.constant 64 : index
    %swap3A_885 = tpu.vector_load %arg12[%swap3A_883, %swap3A_884] {strides = array<i32>} : memref<8x128xf32, #tpu.memory_space<vmem>>, vector<16xf32>,
    tpu.vector_store %arg12[%swap3A_883, %swap3A_884], %select_n3A_881 {strides = array<i32>} : memref<8x128xf32, #tpu.memory_space<vmem>>, vector<16xf32>,
    %get3A_886 = arith.constant 80 : index
    %get3A_887 = tpu.vector_load %arg11[%get3A_886] {strides = array<i32>} : memref<128xf32, #tpu.memory_space<vmem>>, vector<16xf32>,
    %select_n3A_888 = arith.select %gt3A_647, %get3A_887, %broadcast_in_dim3A_643 : vector<16xf32>
    %swap3A_889 = arith.constant 0 : i32
    %swap3A_890 = arith.index_cast %swap3A_889 : i32 to index
    %swap3A_891 = arith.constant 80 : index
    %swap3A_892 = tpu.vector_load %arg12[%swap3A_890, %swap3A_891] {strides = array<i32>} : memref<8x128xf32, #tpu.memory_space<vmem>>, vector<16xf32>,
    tpu.vector_store %arg12[%swap3A_890, %swap3A_891], %select_n3A_888 {strides = array<i32>} : memref<8x128xf32, #tpu.memory_space<vmem>>, vector<16xf32>,
    %select_n3A_893 = arith.select %gt3A_651, %get3A_887, %broadcast_in_dim3A_643 : vector<16xf32>
    %swap3A_894 = arith.constant 1 : i32
    %swap3A_895 = arith.index_cast %swap3A_894 : i32 to index
    %swap3A_896 = arith.constant 80 : index
    %swap3A_897 = tpu.vector_load %arg12[%swap3A_895, %swap3A_896] {strides = array<i32>} : memref<8x128xf32, #tpu.memory_space<vmem>>, vector<16xf32>,
    tpu.vector_store %arg12[%swap3A_895, %swap3A_896], %select_n3A_893 {strides = array<i32>} : memref<8x128xf32, #tpu.memory_space<vmem>>, vector<16xf32>,
    %select_n3A_898 = arith.select %gt3A_655, %get3A_887, %broadcast_in_dim3A_643 : vector<16xf32>
    %swap3A_899 = arith.constant 2 : i32
    %swap3A_900 = arith.index_cast %swap3A_899 : i32 to index
    %swap3A_901 = arith.constant 80 : index
    %swap3A_902 = tpu.vector_load %arg12[%swap3A_900, %swap3A_901] {strides = array<i32>} : memref<8x128xf32, #tpu.memory_space<vmem>>, vector<16xf32>,
    tpu.vector_store %arg12[%swap3A_900, %swap3A_901], %select_n3A_898 {strides = array<i32>} : memref<8x128xf32, #tpu.memory_space<vmem>>, vector<16xf32>,
    %select_n3A_903 = arith.select %gt3A_659, %get3A_887, %broadcast_in_dim3A_643 : vector<16xf32>
    %swap3A_904 = arith.constant 3 : i32
    %swap3A_905 = arith.index_cast %swap3A_904 : i32 to index
    %swap3A_906 = arith.constant 80 : index
    %swap3A_907 = tpu.vector_load %arg12[%swap3A_905, %swap3A_906] {strides = array<i32>} : memref<8x128xf32, #tpu.memory_space<vmem>>, vector<16xf32>,
    tpu.vector_store %arg12[%swap3A_905, %swap3A_906], %select_n3A_903 {strides = array<i32>} : memref<8x128xf32, #tpu.memory_space<vmem>>, vector<16xf32>,
    %select_n3A_908 = arith.select %gt3A_663, %get3A_887, %broadcast_in_dim3A_643 : vector<16xf32>
    %swap3A_909 = arith.constant 4 : i32
    %swap3A_910 = arith.index_cast %swap3A_909 : i32 to index
    %swap3A_911 = arith.constant 80 : index
    %swap3A_912 = tpu.vector_load %arg12[%swap3A_910, %swap3A_911] {strides = array<i32>} : memref<8x128xf32, #tpu.memory_space<vmem>>, vector<16xf32>,
    tpu.vector_store %arg12[%swap3A_910, %swap3A_911], %select_n3A_908 {strides = array<i32>} : memref<8x128xf32, #tpu.memory_space<vmem>>, vector<16xf32>,
    %select_n3A_913 = arith.select %gt3A_667, %get3A_887, %broadcast_in_dim3A_643 : vector<16xf32>
    %swap3A_914 = arith.constant 5 : i32
    %swap3A_915 = arith.index_cast %swap3A_914 : i32 to index
    %swap3A_916 = arith.constant 80 : index
    %swap3A_917 = tpu.vector_load %arg12[%swap3A_915, %swap3A_916] {strides = array<i32>} : memref<8x128xf32, #tpu.memory_space<vmem>>, vector<16xf32>,
    tpu.vector_store %arg12[%swap3A_915, %swap3A_916], %select_n3A_913 {strides = array<i32>} : memref<8x128xf32, #tpu.memory_space<vmem>>, vector<16xf32>,
    %select_n3A_918 = arith.select %gt3A_671, %get3A_887, %broadcast_in_dim3A_643 : vector<16xf32>
    %swap3A_919 = arith.constant 6 : i32
    %swap3A_920 = arith.index_cast %swap3A_919 : i32 to index
    %swap3A_921 = arith.constant 80 : index
    %swap3A_922 = tpu.vector_load %arg12[%swap3A_920, %swap3A_921] {strides = array<i32>} : memref<8x128xf32, #tpu.memory_space<vmem>>, vector<16xf32>,
    tpu.vector_store %arg12[%swap3A_920, %swap3A_921], %select_n3A_918 {strides = array<i32>} : memref<8x128xf32, #tpu.memory_space<vmem>>, vector<16xf32>,
    %select_n3A_923 = arith.select %gt3A_675, %get3A_887, %broadcast_in_dim3A_643 : vector<16xf32>
    %swap3A_924 = arith.constant 7 : i32
    %swap3A_925 = arith.index_cast %swap3A_924 : i32 to index
    %swap3A_926 = arith.constant 80 : index
    %swap3A_927 = tpu.vector_load %arg12[%swap3A_925, %swap3A_926] {strides = array<i32>} : memref<8x128xf32, #tpu.memory_space<vmem>>, vector<16xf32>,
    tpu.vector_store %arg12[%swap3A_925, %swap3A_926], %select_n3A_923 {strides = array<i32>} : memref<8x128xf32, #tpu.memory_space<vmem>>, vector<16xf32>,
    %get3A_928 = arith.constant 96 : index
    %get3A_929 = tpu.vector_load %arg11[%get3A_928] {strides = array<i32>} : memref<128xf32, #tpu.memory_space<vmem>>, vector<16xf32>,
    %select_n3A_930 = arith.select %gt3A_647, %get3A_929, %broadcast_in_dim3A_643 : vector<16xf32>
    %swap3A_931 = arith.constant 0 : i32
    %swap3A_932 = arith.index_cast %swap3A_931 : i32 to index
    %swap3A_933 = arith.constant 96 : index
    %swap3A_934 = tpu.vector_load %arg12[%swap3A_932, %swap3A_933] {strides = array<i32>} : memref<8x128xf32, #tpu.memory_space<vmem>>, vector<16xf32>,
    tpu.vector_store %arg12[%swap3A_932, %swap3A_933], %select_n3A_930 {strides = array<i32>} : memref<8x128xf32, #tpu.memory_space<vmem>>, vector<16xf32>,
    %select_n3A_935 = arith.select %gt3A_651, %get3A_929, %broadcast_in_dim3A_643 : vector<16xf32>
    %swap3A_936 = arith.constant 1 : i32
    %swap3A_937 = arith.index_cast %swap3A_936 : i32 to index
    %swap3A_938 = arith.constant 96 : index
    %swap3A_939 = tpu.vector_load %arg12[%swap3A_937, %swap3A_938] {strides = array<i32>} : memref<8x128xf32, #tpu.memory_space<vmem>>, vector<16xf32>,
    tpu.vector_store %arg12[%swap3A_937, %swap3A_938], %select_n3A_935 {strides = array<i32>} : memref<8x128xf32, #tpu.memory_space<vmem>>, vector<16xf32>,
    %select_n3A_940 = arith.select %gt3A_655, %get3A_929, %broadcast_in_dim3A_643 : vector<16xf32>
    %swap3A_941 = arith.constant 2 : i32
    %swap3A_942 = arith.index_cast %swap3A_941 : i32 to index
    %swap3A_943 = arith.constant 96 : index
    %swap3A_944 = tpu.vector_load %arg12[%swap3A_942, %swap3A_943] {strides = array<i32>} : memref<8x128xf32, #tpu.memory_space<vmem>>, vector<16xf32>,
    tpu.vector_store %arg12[%swap3A_942, %swap3A_943], %select_n3A_940 {strides = array<i32>} : memref<8x128xf32, #tpu.memory_space<vmem>>, vector<16xf32>,
    %select_n3A_945 = arith.select %gt3A_659, %get3A_929, %broadcast_in_dim3A_643 : vector<16xf32>
    %swap3A_946 = arith.constant 3 : i32
    %swap3A_947 = arith.index_cast %swap3A_946 : i32 to index
    %swap3A_948 = arith.constant 96 : index
    %swap3A_949 = tpu.vector_load %arg12[%swap3A_947, %swap3A_948] {strides = array<i32>} : memref<8x128xf32, #tpu.memory_space<vmem>>, vector<16xf32>,
    tpu.vector_store %arg12[%swap3A_947, %swap3A_948], %select_n3A_945 {strides = array<i32>} : memref<8x128xf32, #tpu.memory_space<vmem>>, vector<16xf32>,
    %select_n3A_950 = arith.select %gt3A_663, %get3A_929, %broadcast_in_dim3A_643 : vector<16xf32>
    %swap3A_951 = arith.constant 4 : i32
    %swap3A_952 = arith.index_cast %swap3A_951 : i32 to index
    %swap3A_953 = arith.constant 96 : index
    %swap3A_954 = tpu.vector_load %arg12[%swap3A_952, %swap3A_953] {strides = array<i32>} : memref<8x128xf32, #tpu.memory_space<vmem>>, vector<16xf32>,
    tpu.vector_store %arg12[%swap3A_952, %swap3A_953], %select_n3A_950 {strides = array<i32>} : memref<8x128xf32, #tpu.memory_space<vmem>>, vector<16xf32>,
    %select_n3A_955 = arith.select %gt3A_667, %get3A_929, %broadcast_in_dim3A_643 : vector<16xf32>
    %swap3A_956 = arith.constant 5 : i32
    %swap3A_957 = arith.index_cast %swap3A_956 : i32 to index
    %swap3A_958 = arith.constant 96 : index
    %swap3A_959 = tpu.vector_load %arg12[%swap3A_957, %swap3A_958] {strides = array<i32>} : memref<8x128xf32, #tpu.memory_space<vmem>>, vector<16xf32>,
    tpu.vector_store %arg12[%swap3A_957, %swap3A_958], %select_n3A_955 {strides = array<i32>} : memref<8x128xf32, #tpu.memory_space<vmem>>, vector<16xf32>,
    %select_n3A_960 = arith.select %gt3A_671, %get3A_929, %broadcast_in_dim3A_643 : vector<16xf32>
    %swap3A_961 = arith.constant 6 : i32
    %swap3A_962 = arith.index_cast %swap3A_961 : i32 to index
    %swap3A_963 = arith.constant 96 : index
    %swap3A_964 = tpu.vector_load %arg12[%swap3A_962, %swap3A_963] {strides = array<i32>} : memref<8x128xf32, #tpu.memory_space<vmem>>, vector<16xf32>,
    tpu.vector_store %arg12[%swap3A_962, %swap3A_963], %select_n3A_960 {strides = array<i32>} : memref<8x128xf32, #tpu.memory_space<vmem>>, vector<16xf32>,
    %select_n3A_965 = arith.select %gt3A_675, %get3A_929, %broadcast_in_dim3A_643 : vector<16xf32>
    %swap3A_966 = arith.constant 7 : i32
    %swap3A_967 = arith.index_cast %swap3A_966 : i32 to index
    %swap3A_968 = arith.constant 96 : index
    %swap3A_969 = tpu.vector_load %arg12[%swap3A_967, %swap3A_968] {strides = array<i32>} : memref<8x128xf32, #tpu.memory_space<vmem>>, vector<16xf32>,
    tpu.vector_store %arg12[%swap3A_967, %swap3A_968], %select_n3A_965 {strides = array<i32>} : memref<8x128xf32, #tpu.memory_space<vmem>>, vector<16xf32>,
    %get3A_970 = arith.constant 112 : index
    %get3A_971 = tpu.vector_load %arg11[%get3A_970] {strides = array<i32>} : memref<128xf32, #tpu.memory_space<vmem>>, vector<16xf32>,
    %select_n3A_972 = arith.select %gt3A_647, %get3A_971, %broadcast_in_dim3A_643 : vector<16xf32>
    %swap3A_973 = arith.constant 0 : i32
    %swap3A_974 = arith.index_cast %swap3A_973 : i32 to index
    %swap3A_975 = arith.constant 112 : index
    %swap3A_976 = tpu.vector_load %arg12[%swap3A_974, %swap3A_975] {strides = array<i32>} : memref<8x128xf32, #tpu.memory_space<vmem>>, vector<16xf32>,
    tpu.vector_store %arg12[%swap3A_974, %swap3A_975], %select_n3A_972 {strides = array<i32>} : memref<8x128xf32, #tpu.memory_space<vmem>>, vector<16xf32>,
    %select_n3A_977 = arith.select %gt3A_651, %get3A_971, %broadcast_in_dim3A_643 : vector<16xf32>
    %swap3A_978 = arith.constant 1 : i32
    %swap3A_979 = arith.index_cast %swap3A_978 : i32 to index
    %swap3A_980 = arith.constant 112 : index
    %swap3A_981 = tpu.vector_load %arg12[%swap3A_979, %swap3A_980] {strides = array<i32>} : memref<8x128xf32, #tpu.memory_space<vmem>>, vector<16xf32>,
    tpu.vector_store %arg12[%swap3A_979, %swap3A_980], %select_n3A_977 {strides = array<i32>} : memref<8x128xf32, #tpu.memory_space<vmem>>, vector<16xf32>,
    %select_n3A_982 = arith.select %gt3A_655, %get3A_971, %broadcast_in_dim3A_643 : vector<16xf32>
    %swap3A_983 = arith.constant 2 : i32
    %swap3A_984 = arith.index_cast %swap3A_983 : i32 to index
    %swap3A_985 = arith.constant 112 : index
    %swap3A_986 = tpu.vector_load %arg12[%swap3A_984, %swap3A_985] {strides = array<i32>} : memref<8x128xf32, #tpu.memory_space<vmem>>, vector<16xf32>,
    tpu.vector_store %arg12[%swap3A_984, %swap3A_985], %select_n3A_982 {strides = array<i32>} : memref<8x128xf32, #tpu.memory_space<vmem>>, vector<16xf32>,
    %select_n3A_987 = arith.select %gt3A_659, %get3A_971, %broadcast_in_dim3A_643 : vector<16xf32>
    %swap3A_988 = arith.constant 3 : i32
    %swap3A_989 = arith.index_cast %swap3A_988 : i32 to index
    %swap3A_990 = arith.constant 112 : index
    %swap3A_991 = tpu.vector_load %arg12[%swap3A_989, %swap3A_990] {strides = array<i32>} : memref<8x128xf32, #tpu.memory_space<vmem>>, vector<16xf32>,
    tpu.vector_store %arg12[%swap3A_989, %swap3A_990], %select_n3A_987 {strides = array<i32>} : memref<8x128xf32, #tpu.memory_space<vmem>>, vector<16xf32>,
    %select_n3A_992 = arith.select %gt3A_663, %get3A_971, %broadcast_in_dim3A_643 : vector<16xf32>
    %swap3A_993 = arith.constant 4 : i32
    %swap3A_994 = arith.index_cast %swap3A_993 : i32 to index
    %swap3A_995 = arith.constant 112 : index
    %swap3A_996 = tpu.vector_load %arg12[%swap3A_994, %swap3A_995] {strides = array<i32>} : memref<8x128xf32, #tpu.memory_space<vmem>>, vector<16xf32>,
    tpu.vector_store %arg12[%swap3A_994, %swap3A_995], %select_n3A_992 {strides = array<i32>} : memref<8x128xf32, #tpu.memory_space<vmem>>, vector<16xf32>,
    %select_n3A_997 = arith.select %gt3A_667, %get3A_971, %broadcast_in_dim3A_643 : vector<16xf32>
    %swap3A_998 = arith.constant 5 : i32
    %swap3A_999 = arith.index_cast %swap3A_998 : i32 to index
    %swap3A_1000 = arith.constant 112 : index
    %swap3A_1001 = tpu.vector_load %arg12[%swap3A_999, %swap3A_1000] {strides = array<i32>} : memref<8x128xf32, #tpu.memory_space<vmem>>, vector<16xf32>,
    tpu.vector_store %arg12[%swap3A_999, %swap3A_1000], %select_n3A_997 {strides = array<i32>} : memref<8x128xf32, #tpu.memory_space<vmem>>, vector<16xf32>,
    %select_n3A_1002 = arith.select %gt3A_671, %get3A_971, %broadcast_in_dim3A_643 : vector<16xf32>
    %swap3A_1003 = arith.constant 6 : i32
    %swap3A_1004 = arith.index_cast %swap3A_1003 : i32 to index
    %swap3A_1005 = arith.constant 112 : index
    %swap3A_1006 = tpu.vector_load %arg12[%swap3A_1004, %swap3A_1005] {strides = array<i32>} : memref<8x128xf32, #tpu.memory_space<vmem>>, vector<16xf32>,
    tpu.vector_store %arg12[%swap3A_1004, %swap3A_1005], %select_n3A_1002 {strides = array<i32>} : memref<8x128xf32, #tpu.memory_space<vmem>>, vector<16xf32>,
    %select_n3A_1007 = arith.select %gt3A_675, %get3A_971, %broadcast_in_dim3A_643 : vector<16xf32>
    %swap3A_1008 = arith.constant 7 : i32
    %swap3A_1009 = arith.index_cast %swap3A_1008 : i32 to index
    %swap3A_1010 = arith.constant 112 : index
    %swap3A_1011 = tpu.vector_load %arg12[%swap3A_1009, %swap3A_1010] {strides = array<i32>} : memref<8x128xf32, #tpu.memory_space<vmem>>, vector<16xf32>,
    tpu.vector_store %arg12[%swap3A_1009, %swap3A_1010], %select_n3A_1007 {strides = array<i32>} : memref<8x128xf32, #tpu.memory_space<vmem>>, vector<16xf32>,
    %eq3A = arith.constant 0 : i32
    %eq3A_1012 = arith.cmpi eq, %arg0, %eq3A : i32
    %convert_element_type3A_1013 = arith.extui %eq3A_1012 : i1 to i32
    %cond3A = arith.constant 0 : i32
    %cond3A_1014 = arith.cmpi ne, %convert_element_type3A_1013, %cond3A : i32
    scf.if %cond3A_1014 {
      %run_scoped3A = arith.constant 0 : i32
      %run_scoped3A_1020 = arith.constant 0 : i32
      "tpu.region"() ({
        %run_scoped3A_1026 = tpu.sem_alloc : memref<!tpu.dma_semaphore, #tpu.memory_space<semaphore_mem>>
        %dma_start3A_1027 = arith.constant 0 : i32
        %dma_start3A_1028 = tpu.memref_slice %arg4[%run_scoped3A, %run_scoped3A_1020, %mul3A_0, %dma_start3A_1027] : memref<1x1x128x128xf32, #tpu.memory_space<hbm>> -> memref<1x1x8x128xf32, #tpu.memory_space<hbm>>
        %dma_start3A_1029 = tpu.memref_squeeze %dma_start3A_1028 : memref<1x1x8x128xf32, #tpu.memory_space<hbm>> -> memref<8x128xf32, #tpu.memory_space<hbm>>
        %dma_start3A_1030 = arith.constant 0 : i32
        %dma_start3A_1031 = tpu.memref_slice %arg4[%run_scoped3A, %run_scoped3A_1020, %mul3A_0, %dma_start3A_1030] : memref<1x1x128x128xf32, #tpu.memory_space<hbm>> -> memref<1x1x8x128xf32, #tpu.memory_space<hbm>>
        %dma_start3A_1032 = tpu.memref_squeeze %dma_start3A_1031 : memref<1x1x8x128xf32, #tpu.memory_space<hbm>> -> memref<8x128xf32, #tpu.memory_space<hbm>>
        tpu.enqueue_dma source(%arg12 : memref<8x128xf32, #tpu.memory_space<vmem>>) target(%dma_start3A_1032 : memref<8x128xf32, #tpu.memory_space<hbm>>) target_semaphore(%run_scoped3A_1026 : memref<!tpu.dma_semaphore, #tpu.memory_space<semaphore_mem>>)
        %dma_wait3A_1033 = arith.constant 0 : i32
        %dma_wait3A_1034 = tpu.memref_slice %arg4[%run_scoped3A, %run_scoped3A_1020, %mul3A_0, %dma_wait3A_1033] : memref<1x1x128x128xf32, #tpu.memory_space<hbm>> -> memref<1x1x8x128xf32, #tpu.memory_space<hbm>>
        %dma_wait3A_1035 = tpu.memref_squeeze %dma_wait3A_1034 : memref<1x1x8x128xf32, #tpu.memory_space<hbm>> -> memref<8x128xf32, #tpu.memory_space<hbm>>
        %dma_wait3A_1036 = arith.constant 0 : i32
        %dma_wait3A_1037 = tpu.memref_slice %arg4[%run_scoped3A, %run_scoped3A_1020, %mul3A_0, %dma_wait3A_1036] : memref<1x1x128x128xf32, #tpu.memory_space<hbm>> -> memref<1x1x8x128xf32, #tpu.memory_space<hbm>>
        %dma_wait3A_1038 = tpu.memref_squeeze %dma_wait3A_1037 : memref<1x1x8x128xf32, #tpu.memory_space<hbm>> -> memref<8x128xf32, #tpu.memory_space<hbm>>
        tpu.wait_dma2 semaphore(%run_scoped3A_1026 : memref<!tpu.dma_semaphore, #tpu.memory_space<semaphore_mem>>) src(%arg12 : memref<8x128xf32, #tpu.memory_space<vmem>>) dst(%dma_wait3A_1038 : memref<8x128xf32, #tpu.memory_space<hbm>>)
        tpu.yield
      }) : () -> ()
      %eq3A_1021 = arith.constant 0 : i32
      %eq3A_1022 = arith.cmpi eq, %arg1, %eq3A_1021 : i32
      %convert_element_type3A_1023 = arith.extui %eq3A_1022 : i1 to i32
      %cond3A_1024 = arith.constant 0 : i32
      %cond3A_1025 = arith.cmpi ne, %convert_element_type3A_1023, %cond3A_1024 : i32
      scf.if %cond3A_1025 {
        "tpu.region"() ({
          %run_scoped3A_1026 = tpu.sem_alloc : memref<!tpu.dma_semaphore, #tpu.memory_space<semaphore_mem>>
          %dma_start3A_1027 = arith.constant 0 : i32
          %dma_start3A_1028 = tpu.memref_slice %arg13[%dma_start3A_1027] : memref<16xf32, #tpu.memory_space<vmem>> -> memref<1xf32, #tpu.memory_space<vmem>>
          %dma_start3A_1029 = arith.constant 0 : i32
          %dma_start3A_1030 = tpu.memref_slice %arg13[%dma_start3A_1029] : memref<16xf32, #tpu.memory_space<vmem>> -> memref<1xf32, #tpu.memory_space<vmem>>
          tpu.enqueue_dma source(%dma_start3A_1030 : memref<1xf32, #tpu.memory_space<vmem>>) target(%arg6 : memref<1xf32, #tpu.memory_space<hbm>>) target_semaphore(%run_scoped3A_1026 : memref<!tpu.dma_semaphore, #tpu.memory_space<semaphore_mem>>)
          %dma_wait3A_1031 = arith.constant 0 : i32
          %dma_wait3A_1032 = tpu.memref_slice %arg13[%dma_wait3A_1031] : memref<16xf32, #tpu.memory_space<vmem>> -> memref<1xf32, #tpu.memory_space<vmem>>
          %dma_wait3A_1033 = arith.constant 0 : i32
          %dma_wait3A_1034 = tpu.memref_slice %arg13[%dma_wait3A_1033] : memref<16xf32, #tpu.memory_space<vmem>> -> memref<1xf32, #tpu.memory_space<vmem>>
          tpu.wait_dma2 semaphore(%run_scoped3A_1026 : memref<!tpu.dma_semaphore, #tpu.memory_space<semaphore_mem>>) src(%dma_wait3A_1034 : memref<1xf32, #tpu.memory_space<vmem>>) dst(%arg6 : memref<1xf32, #tpu.memory_space<hbm>>)
          tpu.yield
        }) : () -> ()
      } else {
      }
    } else {
    }
    %eq3A_1015 = arith.constant 1 : i32
    %eq3A_1016 = arith.cmpi eq, %arg0, %eq3A_1015 : i32
    %convert_element_type3A_1017 = arith.extui %eq3A_1016 : i1 to i32
    %cond3A_1018 = arith.constant 0 : i32
    %cond3A_1019 = arith.cmpi ne, %convert_element_type3A_1017, %cond3A_1018 : i32
    scf.if %cond3A_1019 {
      %run_scoped3A = arith.constant 0 : i32
      %run_scoped3A_1020 = arith.constant 0 : i32
      "tpu.region"() ({
        %run_scoped3A_1026 = tpu.sem_alloc : memref<!tpu.dma_semaphore, #tpu.memory_space<semaphore_mem>>
        %dma_start3A_1027 = arith.constant 0 : i32
        %dma_start3A_1028 = tpu.memref_slice %arg5[%run_scoped3A, %run_scoped3A_1020, %mul3A_0, %dma_start3A_1027] : memref<1x1x128x128xf32, #tpu.memory_space<hbm>> -> memref<1x1x8x128xf32, #tpu.memory_space<hbm>>
        %dma_start3A_1029 = tpu.memref_squeeze %dma_start3A_1028 : memref<1x1x8x128xf32, #tpu.memory_space<hbm>> -> memref<8x128xf32, #tpu.memory_space<hbm>>
        %dma_start3A_1030 = arith.constant 0 : i32
        %dma_start3A_1031 = tpu.memref_slice %arg5[%run_scoped3A, %run_scoped3A_1020, %mul3A_0, %dma_start3A_1030] : memref<1x1x128x128xf32, #tpu.memory_space<hbm>> -> memref<1x1x8x128xf32, #tpu.memory_space<hbm>>
        %dma_start3A_1032 = tpu.memref_squeeze %dma_start3A_1031 : memref<1x1x8x128xf32, #tpu.memory_space<hbm>> -> memref<8x128xf32, #tpu.memory_space<hbm>>
        tpu.enqueue_dma source(%arg12 : memref<8x128xf32, #tpu.memory_space<vmem>>) target(%dma_start3A_1032 : memref<8x128xf32, #tpu.memory_space<hbm>>) target_semaphore(%run_scoped3A_1026 : memref<!tpu.dma_semaphore, #tpu.memory_space<semaphore_mem>>)
        %dma_wait3A_1033 = arith.constant 0 : i32
        %dma_wait3A_1034 = tpu.memref_slice %arg5[%run_scoped3A, %run_scoped3A_1020, %mul3A_0, %dma_wait3A_1033] : memref<1x1x128x128xf32, #tpu.memory_space<hbm>> -> memref<1x1x8x128xf32, #tpu.memory_space<hbm>>
        %dma_wait3A_1035 = tpu.memref_squeeze %dma_wait3A_1034 : memref<1x1x8x128xf32, #tpu.memory_space<hbm>> -> memref<8x128xf32, #tpu.memory_space<hbm>>
        %dma_wait3A_1036 = arith.constant 0 : i32
        %dma_wait3A_1037 = tpu.memref_slice %arg5[%run_scoped3A, %run_scoped3A_1020, %mul3A_0, %dma_wait3A_1036] : memref<1x1x128x128xf32, #tpu.memory_space<hbm>> -> memref<1x1x8x128xf32, #tpu.memory_space<hbm>>
        %dma_wait3A_1038 = tpu.memref_squeeze %dma_wait3A_1037 : memref<1x1x8x128xf32, #tpu.memory_space<hbm>> -> memref<8x128xf32, #tpu.memory_space<hbm>>
        tpu.wait_dma2 semaphore(%run_scoped3A_1026 : memref<!tpu.dma_semaphore, #tpu.memory_space<semaphore_mem>>) src(%arg12 : memref<8x128xf32, #tpu.memory_space<vmem>>) dst(%dma_wait3A_1038 : memref<8x128xf32, #tpu.memory_space<hbm>>)
        tpu.yield
      }) : () -> ()
      %eq3A_1021 = arith.constant 0 : i32
      %eq3A_1022 = arith.cmpi eq, %arg1, %eq3A_1021 : i32
      %convert_element_type3A_1023 = arith.extui %eq3A_1022 : i1 to i32
      %cond3A_1024 = arith.constant 0 : i32
      %cond3A_1025 = arith.cmpi ne, %convert_element_type3A_1023, %cond3A_1024 : i32
      scf.if %cond3A_1025 {
        "tpu.region"() ({
          %run_scoped3A_1026 = tpu.sem_alloc : memref<!tpu.dma_semaphore, #tpu.memory_space<semaphore_mem>>
          %dma_start3A_1027 = arith.constant 0 : i32
          %dma_start3A_1028 = tpu.memref_slice %arg13[%dma_start3A_1027] : memref<16xf32, #tpu.memory_space<vmem>> -> memref<1xf32, #tpu.memory_space<vmem>>
          %dma_start3A_1029 = arith.constant 0 : i32
          %dma_start3A_1030 = tpu.memref_slice %arg13[%dma_start3A_1029] : memref<16xf32, #tpu.memory_space<vmem>> -> memref<1xf32, #tpu.memory_space<vmem>>
          tpu.enqueue_dma source(%dma_start3A_1030 : memref<1xf32, #tpu.memory_space<vmem>>) target(%arg7 : memref<1xf32, #tpu.memory_space<hbm>>) target_semaphore(%run_scoped3A_1026 : memref<!tpu.dma_semaphore, #tpu.memory_space<semaphore_mem>>)
          %dma_wait3A_1031 = arith.constant 0 : i32
          %dma_wait3A_1032 = tpu.memref_slice %arg13[%dma_wait3A_1031] : memref<16xf32, #tpu.memory_space<vmem>> -> memref<1xf32, #tpu.memory_space<vmem>>
          %dma_wait3A_1033 = arith.constant 0 : i32
          %dma_wait3A_1034 = tpu.memref_slice %arg13[%dma_wait3A_1033] : memref<16xf32, #tpu.memory_space<vmem>> -> memref<1xf32, #tpu.memory_space<vmem>>
          tpu.wait_dma2 semaphore(%run_scoped3A_1026 : memref<!tpu.dma_semaphore, #tpu.memory_space<semaphore_mem>>) src(%dma_wait3A_1034 : memref<1xf32, #tpu.memory_space<vmem>>) dst(%arg7 : memref<1xf32, #tpu.memory_space<hbm>>)
          tpu.yield
        }) : () -> ()
      } else {
      }
    } else {
    }
    return
  }
}

</mosaic_0001>

<sc_bundles>
// kernel: kernel.3.cloned.1.call-start
scs
__scs_entry_jumppad:
0x0: {  	(pc) =	sbr.rel $0x88, $3  }
0x1: {  	(tag) =	ssettag $0x0;
	lr =	simm.s32 $0x1  }
0x2: {  	[smem:$0x3F9D] =	sst lr;
	_ =	strace $0xD0000000  }
0x3: {  	_ = 	snop  }
0x4: {  	_ = 	snop  }
0x5: {  	_ = 	snop  }
0x6: {  	_ = 	snop  }
0x7: {  	_ = 	snop  }
__scs_overlays_trampoline_lowered:
0x8: {  	[smem:$0x3FAC] =	sst s0  }
0x9: {  	[smem:$0x3FAD] =	sst s1  }
0xa: {  	[smem:$0x3FAE] =	sst s2  }
0xb: {  	[smem:$0x3FAF] =	sst s3  }
0xc: {  	[smem:$0x3FB0] =	sst s4  }
0xd: {  	[smem:$0x3FB1] =	sst s5  }
0xe: {  	[smem:$0x3FB2] =	sst s6  }
0xf: {  	[smem:$0x3FB3] =	sst s7  }
0x10: {  	[smem:$0x3FB4] =	sst s8  }
0x11: {  	[smem:$0x3FB5] =	sst s9;
	s0 =	simm.s32 @!p0 $0x0  }
0x12: {  	s1 =	sld [smem:$0x3F9B];
	s0 =	simm.s32 @p0 $0x1  }
0x13: {  	[smem:$0x3FB6] =	sst s0;
	s0 =	simm.s32 @!p1 $0x0  }
0x14: {  	s2 =	sld [smem:$0x3F9A];
	s0 =	simm.s32 @p1 $0x1  }
0x15: {  	[smem:$0x3FB7] =	sst s0;
	s0 =	simm.s32 @!p2 $0x0  }
0x16: {  	s3 =	sld [smem:$0x3FDB];
	s0 =	simm.s32 @p2 $0x1  }
0x17: {  	s4 =	simm.s32 $0x1BF5;
	[smem:$0x3FB9] =	sst s0  }
0x18: {  	s0 =	sld [smem:$0x3F9C];
	_ =	swait.ge [sflag:s4], $0x0  }
0x19: {  	s7 =	sld [smem:$0x3F9D]  }
0x1a: {  	s8 =	sadd.s32 $0xFFFFE003, lr  }
0x1b: {  	s9 =	sadd.s32 $0xFFFFFEF7, lr;
	s5 =	simm.s32 $0xFFFFFFFF;
	p2 =	slt.u32 s8, $0xFFFFF086  }
0x1c: {  	p1 =	slt.u32 s9, $0xF7A;
	s5 =	simm.s32 @!p2 $0x0  }
0x1d: {  	s5 =	simm.s32 @p1 $0x1;
	p0 =	seq.s32 s7, s2  }
0x1e: {  	s7 =	smul.u32 @!p0 $0xF7A, s2;
	p2 =	seq.s32 @!p0 s5, $0x0  }
0x1f: {  	s9 =	smul.u32 $0xF7A, s1;
	s8 =	simm.s32 @!p0 $0x1BF5;
	p2 =	por !p2, p0  }
0x20: {  	[sflag:s8] =	ssyncset.s32 @!p0 $0xFFFFF086;
	s6 =	sadd.s32 @!p0 s3, s7;
	s7 =	simm.s32 @!p0 $0x108  }
0x21: {  	s3 =	sadd.s32 s3, s9;
	s6 =	sadd.s32 @!p0 $0x88, s6;
	s7 =	simm.s32 @p2 $0x1082  }
0x22: {  	[simem:s7], [sflag:s8] =	dma.local @!p0 [hbm:s6], $0xF7A  }
0x23: {  	s9 =	sor.u32 $0xD0000000, s2;
	s6 =	simm.s32 $0x108;
	_ =	swait.ge @!p0 [sflag:s8], $0x0  }
0x24: {  	s3 =	sadd.s32 $0x88, s3;
	s6 =	simm.s32 @!p1 $0x1082;
	[sflag:s4] =	ssyncset.s32 $0xFFFFF086  }
0x25: {  	[simem:s6], [sflag:s4] =	dma.local [hbm:s3], $0xF7A  }
0x26: {  	[smem:$0x3F9D] =	sst s1;
	(tag) =	ssettag s2;
	_ =	strace s9  }
0x27: {  	s1 =	sld [smem:$0x3FAD]  }
0x28: {  	s2 =	sld [smem:$0x3FAE]  }
0x29: {  	s4 =	sld [smem:$0x3FB0]  }
0x2a: {  	p0 =	seq.s32 s5, $0x0;
	s5 =	sld [smem:$0x3FB1]  }
0x2b: {  	s6 =	sld [smem:$0x3FB2]  }
0x2c: {  	s7 =	sld [smem:$0x3FB3]  }
0x2d: {  	s3 =	simm.s32 $0x108;
	s8 =	sld [smem:$0x3FB4]  }
0x2e: {  	s3 =	simm.s32 @!p0 $0x1082;
	s9 =	sld [smem:$0x3FB5]  }
0x2f: {  	lr =	sadd.s32 s0, s3;
	s0 =	sld [smem:$0x3FAC]  }
0x30: {  	s3 =	sld [smem:$0x3FAF]  }
0x31: {  	[smem:$0x3FB8] =	sst s10  }
0x32: {  	s10 =	sld [smem:$0x3FB6];
	_ =	sdelay $0x3  }
0x33: {  	p0 =	seq.s32 s10, $0x1;
	s10 =	sld [smem:$0x3FB8];
	_ =	sdelay $0x3  }
0x34: {  	[smem:$0x3FB8] =	sst s10  }
0x35: {  	s10 =	sld [smem:$0x3FB7];
	_ =	sdelay $0x3  }
0x36: {  	p1 =	seq.s32 s10, $0x1;
	s10 =	sld [smem:$0x3FB8];
	_ =	sdelay $0x3  }
0x37: {  	[smem:$0x3FB8] =	sst s10  }
0x38: {  	s10 =	sld [smem:$0x3FB9]  }
0x39: {  	_ = 	snop;
	(pc) =	sbr.ind lr, $3  }
0x3a: {  	_ = 	snop  }
0x3b: {  	_ = 	snop  }
0x3c: {  	p2 =	seq.s32 s10, $0x1;
	s10 =	sld [smem:$0x3FB8]  }
0x3d: {  	_ =	shalt  }
0x3e: {  	_ =	shalt  }
0x3f: {  	_ =	shalt  }
0x40: {  	_ =	shalt  }
0x41: {  	_ =	shalt  }
0x42: {  	_ =	shalt  }
0x43: {  	_ =	shalt  }
0x44: {  	_ =	shalt  }
0x45: {  	_ =	shalt  }
0x46: {  	_ =	shalt  }
0x47: {  	_ =	shalt  }
0x48: {  	_ =	shalt  }
0x49: {  	_ =	shalt  }
0x4a: {  	_ =	shalt  }
0x4b: {  	_ =	shalt  }
0x4c: {  	_ =	shalt  }
0x4d: {  	_ =	shalt  }
0x4e: {  	_ =	shalt  }
0x4f: {  	_ =	shalt  }
0x50: {  	_ =	shalt  }
0x51: {  	_ =	shalt  }
0x52: {  	_ =	shalt  }
0x53: {  	_ =	shalt  }
0x54: {  	_ =	shalt  }
0x55: {  	_ =	shalt  }
0x56: {  	_ =	shalt  }
0x57: {  	_ =	shalt  }
0x58: {  	_ =	shalt  }
0x59: {  	_ =	shalt  }
0x5a: {  	_ =	shalt  }
0x5b: {  	_ =	shalt  }
0x5c: {  	_ =	shalt  }
0x5d: {  	_ =	shalt  }
0x5e: {  	_ =	shalt  }
0x5f: {  	_ =	shalt  }
0x60: {  	_ =	shalt  }
0x61: {  	_ =	shalt  }
0x62: {  	_ =	shalt  }
0x63: {  	_ =	shalt  }
0x64: {  	_ =	shalt  }
0x65: {  	_ =	shalt  }
0x66: {  	_ =	shalt  }
0x67: {  	_ =	shalt  }
0x68: {  	_ =	shalt  }
0x69: {  	_ =	shalt  }
0x6a: {  	_ =	shalt  }
0x6b: {  	_ =	shalt  }
0x6c: {  	_ =	shalt  }
0x6d: {  	_ =	shalt  }
0x6e: {  	_ =	shalt  }
0x6f: {  	_ =	shalt  }
0x70: {  	_ =	shalt  }
0x71: {  	_ =	shalt  }
0x72: {  	_ =	shalt  }
0x73: {  	_ =	shalt  }
0x74: {  	_ =	shalt  }
0x75: {  	_ =	shalt  }
0x76: {  	_ =	shalt  }
0x77: {  	_ =	shalt  }
0x78: {  	_ =	shalt  }
0x79: {  	_ =	shalt  }
0x7a: {  	_ =	shalt  }
0x7b: {  	_ =	shalt  }
0x7c: {  	_ =	shalt  }
0x7d: {  	_ =	shalt  }
0x7e: {  	_ =	shalt  }
0x7f: {  	_ =	shalt  }
0x80: {  	_ =	shalt  }
0x81: {  	_ =	shalt  }
0x82: {  	_ =	shalt  }
0x83: {  	_ =	shalt  }
0x84: {  	_ =	shalt  }
0x85: {  	_ =	shalt  }
0x86: {  	_ =	shalt  }
0x87: {  	_ =	shalt  }
.Lfunc_end0:
.L_simem_size_0:
called_computation_lowered:
.L_overlay_start_0:
0x88: {  	s2 =	sld [smem:$0x3FD9]  }
0x89: {  	s3 =	sld [smem:$0x3FFE];
	_ =	sdelay $0x1  }
0x8a: {  	s1 =	srdreg.scid  }
0x8b: {  	s0 =	sand.u32 $0x1, s1  }
0x8c: {  	s14 =	sshll.u32 s0, $0xA;
	s2 =	sadd.s32 s3, s2  }
0x8d: {  	s2 =	sadd.s32 s2, s14  }
0x8e: {  	[smem:$0x3FC4] =	sst s2  }
0x8f: {  	_ = 	snop  }
0x90: {  	s2 =	sld [smem:$0x3FD0];
	_ =	sdelay $0x2  }
0x91: {  	s15 =	simm.s32 $0xA;
	s4 =	simm.s32 $0x10  }
0x92: {  	[smem:s4], [sflag:s15] =	dma.local [hbm:s2], $0x1  }
0x93: {  	_ =	swait.eq [sflag:s15], $0x1  }
0x94: {  	s16 =	sld [smem:$0x10]  }
0x95: {  	s17 =	sld [smem:$0x11];
	[sflag:s15] =	ssyncset.done $0x0  }
0x96: {  	s5 =	sld [smem:$0x12];
	[sflag:s15] =	ssyncadd.s32 $0xFFFFFFFF  }
0x97: {  	s18 =	sld [smem:$0x13];
	(tm) =	ssettm $0x1  }
0x98: {  	s6 =	sld [smem:$0x3FFB];
	_ =	sdelay $0x3  }
0x99: {  	_ =	strace s6  }
0x9a: {  	s6 =	sld [smem:$0x3FFC];
	_ =	sdelay $0x3  }
0x9b: {  	_ =	strace s6  }
0x9c: {  	s6 =	sld [smem:$0x3FFD];
	_ =	sdelay $0x3  }
0x9d: {  	_ =	strace s6  }
0x9e: {  	_ =	strace $0x8FFFFFFF  }
0x9f: {  	s19 =	sld [smem:$0x3FDB];
	_ =	sdelay $0x1  }
0xa0: {  	s7 =	simm.s32 $_scs_section_size  }
0xa1: {  	s8 =	simm.s32 $_size__tile_overlayer_lowered;
	s9 =	simm.s32 $_tile_overlayer_lowered  }
0xa2: {  	s22 =	simm.s32 $0x1BFF;
	s21 =	sshll.u32 s9, $0x1;
	s6 =	sadd.s32 s7, s19  }
0xa3: {  	s10 =	simm.s32 $0x0;
	s20 =	sshll.u32 s8, $0x1;
	s8 =	sadd.s32 s21, s6  }
0xa4: {  	[timem:s10], [sflag:s22] =	dma.local [hbm:s8], s20  }
0xa5: {  	_ =	swait.ge [sflag:s22], s20  }
0xa6: {  	s7 =	ssub.s32 $0x0, s20;
	[sflag:s22] =	ssyncset.done $0x0  }
0xa7: {  	[sflag:s22] =	ssyncadd.s32 s7;
	_ =	sdelay $0x1  }
0xa8: {  	s23 =	simm.s32 $0x1B8B  }
0xa9: {  	_ =	swait.ge [sflag:s23], $0x1  }
0xaa: {  	[sflag:s23] =	ssyncset.done $0x0  }
0xab: {  	s25 =	simm.s32 $0x1B8E;
	s24 =	sld [smem:$0x3FFE];
	[sflag:s23] =	ssyncadd.s32 $0xFFFFFFFF  }
0xac: {  	s26 =	simm.s32 $execute0_lowered;
	[smem:$0x3FD2] =	sst s25  }
0xad: {  	s8 =	sshll.u32 s26, $0x1;
	_ =	strace $0x80000046;
	[dreg:$0x1] =	wrdreg $0xFFFFFFFF  }
0xae: {  	s28 =	simm.s32 $_size_execute0_lowered;
	s6 =	sadd.s32 s6, s8;
	[dreg:$0x0] =	wrdreg $0x0  }
0xaf: {  	s8 =	sshll.u32 s28, $0x1;
	[dreg:$0x2] =	wrdreg s6  }
0xb0: {  	[dreg:$0x3] =	wrdreg s8  }
0xb1: {  	[dreg:$0x4] =	wrdreg $0xC0  }
0xb2: {  	_ =	task [dreg:s10], $0x5FFFF  }
0xb3: {  	[dreg:$0x1] =	wrdreg $0xFFFFFFFF  }
0xb4: {  	[dreg:$0x0] =	wrdreg $0x60  }
0xb5: {  	[dreg:$0x2] =	wrdreg s24  }
0xb6: {  	[dreg:$0x3] =	wrdreg s16  }
0xb7: {  	[dreg:$0x4] =	wrdreg s5  }
0xb8: {  	[dreg:$0x5] =	wrdreg s17  }
0xb9: {  	[dreg:$0x6] =	wrdreg s18  }
0xba: {  	[dreg:$0x7] =	wrdreg $0x9  }
0xbb: {  	_ =	task.clear_ibuf [dreg:s10], $0x8FFFF;
	_ =	strace $0x90000046  }
0xbc: {  	s29 =	simm.s32 $0x9;
	_ =	strace $0x80000048  }
0xbd: {  	_ =	swait.ge [sflag:s29], $0x1  }
0xbe: {  	[sflag:s29] =	ssyncadd.s32 $0xFFFFFFFF  }
0xbf: {  	_ =	strace $0x90000048  }
0xc0: {  	_ =	sfence  }
0xc1: {  	s30 =	sld [smem:$0x0];
	_ =	sdelay $0x2  }
0xc2: {  	s31 =	sshll.u32 s1, $0xD;
	s1 =	sshrl.u32 s1, $0x2  }
0xc3: {  	s3 =	sand.u32 $0x4000, s31;
	s1 =	sadd.s32 s1, s30  }
0xc4: {  	s0 =	sor.u32 s3, s0;
	s1 =	sshll.u32 s1, $0x11  }
0xc5: {  	s0 =	sor.u32 s1, s0  }
0xc6: {  	s0 =	sadd.s32 $0x8F2B, s0  }
0xc7: {  	[sflag:s0] =	ssyncadd.remote.s32 $0x1  }
0xc8: {  	_ =	sfence.sel $0xFFFF  }
0xc9: {  	[dreg:$0x0] =	wrdreg $0xFFFFFFFF;
	(pc) =	sbr.abs _section_cstart, $3  }
0xca: {  	[dreg:$0x1] =	wrdreg $0xFFFFFFFF  }
0xcb: {  	_ =	task.clear_ibuf [dreg:s10], $0x2FFFF;
	_ =	strace $0x9FFFFFFF  }
0xcc: {  	(tm) =	ssettm $0x7FFFFFFF  }
0xcd: {  	_ =	shalt  }
tec
execute0_lowered:
.L_overlay_start_1:
0x0: {  	(tag) =	ssettag $0x1  }
0x1: {  	s5 =	rddreg [dreg:$0x0]  }
0x2: {  	s6 =	rddreg [dreg:$0x1]  }
0x3: {  	s7 =	rddreg [dreg:$0x2]  }
0x4: {  	s1 =	rddreg [dreg:$0x3]  }
0x5: {  	s2 =	rddreg [dreg:$0x4]  }
0x6: {  	s0 =	rddreg [dreg:$0x5];
	s3 =	simm.s32 $0x0;
	s8 =	srdreg.scid  }
0x7: {  	s16 =	stileid.u32;
	[smem:$0x7FF] =	sst s3  }
0x8: {  	s4 =	sadd.s32 $0xE00, s5;
	s8 =	sand.u32 $0x1, s8;
	s5 =	sadd.s32 $0xC00, s5  }
0x9: {  	s30 =	sshll.u32 s16, $0x5;
	s31 =	sshll.u32 s16, $0x7;
	_ =	strace $0x80000047  }
0xa: {  	s9 =	ssub.s32 $0x2, s8;
	s10 =	sshll.u32 s8, $0x7;
	p0 =	seq.s32 s8, $0x1  }
0xb: {  	s6 =	sadd.s32 s6, s31;
	s7 =	sadd.s32 s7, s31;
	s11 =	sshrl.u32 s9, $0x1  }
0xc: {  	v0 =	vlaneseq.u32;
	s12 =	sor.u32 $0x1, s10;
	s24 =	sor.u32 $0x3, s10;
	s25 =	sor.u32 $0x4, s10  }
0xd: {  	v9 =	vmul.u32 $0x5, v0;
	s26 =	sor.u32 $0x51, s10;
	s13 =	sor.u32 $0x53, s10;
	s14 =	sor.u32 $0x54, s10  }
0xe: {  	s28 =	sor.u32 $0x2, s10;
	s29 =	sor.u32 $0x50, s10;
	s15 =	sor.u32 $0x52, s10  }
0xf: {  	v10 =	vimm.s32 $0x0;
	vm0 =	vmmov $0xf;
	s8 =	simm.s32 @!p0 $0x0;
	v6 =	vor.u32 s10, v9;
	s10 =	simm.s32 $0x1;
	s9 =	ssub.s32 s9, s11  }
0x10: {  	v0 =	vadd.s32 s12, v9;
	v1 =	vadd.s32 s24, v9;
	v2 =	vadd.s32 s25, v9;
	s8 =	simm.s32 @p0 $0x1;
	s11 =	simm.s32 $0x100;
	p0 =	sne.s32 s16, $0x0  }
.Ltmp0:
0x11: {  	v3 =	vadd.s32 s26, v9;
	v4 =	vadd.s32 s13, v9;
	v5 =	vadd.s32 s14, v9;
	s12 =	sshrl.u32 s30, $0x2;
	s13 =	simm.s32 @!p0 $0x0;
	(pc) =	sbr.rel .LBB2_1-.Ltmp0, $4  }
0x12: {  	v7 =	vadd.s32 s28, v9;
	v8 =	vadd.s32 s29, v9;
	v9 =	vadd.s32 s15, v9;
	s14 =	simm.s32 $0x2;
	s13 =	simm.s32 @p0 $0x1;
	p0 =	seq.s32 s16, $0x0  }
0x13: {  	s15 =	simm.s32 $0x700;
	v0 =	vmin.u32 v0, $0xFF;
	v1 =	vmin.u32 v1, $0xFF;
	v2 =	vmin.u32 v2, $0xFF;
	[smem:$0x7FB] =	sst s8;
	s16 =	simm.s32 @!p0 $0x0  }
0x14: {  	v3 =	vmin.u32 v3, $0xFF;
	v4 =	vmin.u32 v4, $0xFF;
	v5 =	vmin.u32 v5, $0xFF;
	s8 =	smax.u32 s9, $0x1;
	[smem:$0x7FC] =	sst s13;
	s16 =	simm.s32 @p0 $0x1  }
0x15: {  	s9 =	simm.s32 $0x80;
	v7 =	vmin.u32 v7, $0xFF;
	v8 =	vmin.u32 v8, $0xFF;
	v9 =	vmin.u32 v9, $0xFF;
	s13 =	simm.s32 $0x300;
	[smem:$0x7FD] =	sst s16  }
.LBB2_4:
0x16: {  	[hbm4b:s16+s3] =	stream.linear.scatter [tilespmem:s15], [sflag:$0x2], $0x1, $0x38;
	[tilespmem:$0x780] =	vst v63  }
0x17: {  	_ =	swait.ge [sflag:s14], $0x1  }
0x18: {  	[sflag:s14] =	ssyncset.done $0x0  }
0x19: {  	[sflag:s14] =	ssyncadd.s32 $0xFFFFFFFF  }
.LBB2_5:
0x1a: {  	s8 =	sadd.s32 $0xFFFFFFFF, s8  }
0x1b: {  	p0 =	sne.s32 s8, $0x0  }
.Ltmp1:
0x1c: {  	_ = 	snop;
	(pc) =	sbr.rel @!p0 .LBB2_6-.Ltmp1, $1  }
0x1d: {  	_ =	sdelay $0x3  }
.LBB2_1:
0x1e: {  	[tilespmem:s3], [sflag:$0x1] =	stream.linear.gather [hbm4b:s4+s3], $0x64, $0x38;
	[tilespmem:$0x780] =	vst v63  }
0x1f: {  	_ = 	snop  }
0x20: {  	[tilespmem:s9], [sflag:$0x1] =	stream.linear.gather [hbm4b:s5+s3], $0x64, $0x38;
	[tilespmem:$0x780] =	vst v63  }
0x21: {  	_ =	swait.ge [sflag:s10], $0x64  }
0x22: {  	[sflag:s10] =	ssyncset.done $0x0  }
0x23: {  	[sflag:s10] =	ssyncadd.s32 $0xFFFFFF9C  }
0x24: {  	_ =	swait.ge [sflag:s10], $0x64  }
0x25: {  	[sflag:s10] =	ssyncset.done $0x0  }
0x26: {  	[sflag:s10] =	ssyncadd.s32 $0xFFFFFF9C  }
0x27: {  	[tilespmem:$0x100] =	vst v10  }
0x28: {  	[tilespmem:$0x110] =	vst v10  }
0x29: {  	[tilespmem:$0x120] =	vst v10  }
0x2a: {  	[tilespmem:$0x130] =	vst v10  }
0x2b: {  	[tilespmem:$0x140] =	vst v10  }
0x2c: {  	[tilespmem:$0x150] =	vst v10  }
0x2d: {  	[tilespmem:$0x160] =	vst v10  }
0x2e: {  	[tilespmem:$0x170] =	vst v10  }
0x2f: {  	v11 =	vld.idx.msk [tilespmem:v0+s3+$0x0], $0xffff  }
0x30: {  	v12 =	vld.idx.msk [tilespmem:v1+s3+$0x0], $0xffff;
	_ =	sdelay $0x3  }
0x31: {  	v11 =	vmul.f32 $2.500000000e-01, v11  }
0x32: {  	v12 =	vmul.f32 $2.500000000e-01, v12  }
0x33: {  	v11 =	vtrunc.f32 v11  }
0x34: {  	v12 =	vtrunc.f32 v12;
	v11 =	vcvt.f32.s32 v11  }
0x35: {  	v13 =	vld.idx.msk [tilespmem:v2+s3+$0x0], $0xffff;
	v12 =	vcvt.f32.s32 v12  }
0x36: {  	vm1 =	vgt.s32 v11, $0x0  }
0x37: {  	v11 =	vnsel vm1, $0x0, v11;
	vm1 =	vgt.s32 v12, $0x0  }
0x38: {  	v11 =	vmin.u32 v11, $0x7F;
	v12 =	vnsel vm1, $0x0, v12  }
0x39: {  	v12 =	vmin.u32 v12, $0x7F  }
0x3a: {  	vm2 =	vgt.f32 v13, $0.0e+00;
	vm1 =	vlt.f32 v13, $0.0e+00  }
0x3b: {  	vm1 =	vmor vm2, vm1  }
0x3c: {  	v22 =	vsel vm1, $0x1, v10  }
0x3d: {  	v14 =	vsel vm1, $0xFFFFFFFF, v10;
	[tilespmem:v11+s11+$0x0] =	vst.idx.add.s32.msk $0xffff, v22  }
0x3e: {  	[tilespmem:v12+s11+$0x0] =	vst.idx.add.s32.msk $0xffff, v14  }
0x3f: {  	v11 =	vld.idx.msk [tilespmem:v3+s3+$0x0], $0xffff  }
0x40: {  	v12 =	vld.idx.msk [tilespmem:v4+s3+$0x0], $0xffff;
	_ =	sdelay $0x3  }
0x41: {  	v11 =	vmul.f32 $2.500000000e-01, v11  }
0x42: {  	v12 =	vmul.f32 $2.500000000e-01, v12  }
0x43: {  	v11 =	vtrunc.f32 v11  }
0x44: {  	v13 =	vld.idx.msk [tilespmem:v5+s3+$0x0], $0xffff;
	v12 =	vtrunc.f32 v12;
	v11 =	vcvt.f32.s32 v11  }
0x45: {  	v12 =	vcvt.f32.s32 v12  }
0x46: {  	vm1 =	vgt.s32 v11, $0x0  }
0x47: {  	v11 =	vnsel vm1, $0x0, v11;
	vm1 =	vgt.s32 v12, $0x0  }
0x48: {  	v11 =	vmin.u32 v11, $0x7F;
	v12 =	vnsel vm1, $0x0, v12  }
0x49: {  	vm2 =	vgt.f32 v13, $0.0e+00;
	vm1 =	vlt.f32 v13, $0.0e+00;
	v12 =	vmin.u32 v12, $0x7F  }
0x4a: {  	vm1 =	vmor vm2, vm1  }
0x4b: {  	vm1 =	vmand vm1, vm0  }
0x4c: {  	v23 =	vsel vm1, $0x1, v10  }
0x4d: {  	v24 =	vsel vm1, $0xFFFFFFFF, v10;
	[tilespmem:v11+s11+$0x0] =	vst.idx.add.s32.msk $0xffff, v23  }
0x4e: {  	[tilespmem:v12+s11+$0x0] =	vst.idx.add.s32.msk $0xffff, v24  }
0x4f: {  	v11 =	vld [tilespmem:$0x100]  }
0x50: {  	v12 =	vld [tilespmem:$0x110];
	_ =	sdelay $0x2  }
0x51: {  	v13 =	vld [tilespmem:$0x120]  }
0x52: {  	(xrf0) =	vadd.scan.msk.s32 $0xffff, v11  }
0x53: {  	(xrf0) =	vadd.scan.msk.s32 $0xffff, v12  }
0x54: {  	v11 =	vld [tilespmem:$0x130];
	_ =	sdelay $0x1  }
0x55: {  	v25 =	vld [tilespmem:$0x140];
	(xrf0) =	vadd.scan.msk.s32 $0xffff, v13  }
0x56: {  	v26 =	vld [tilespmem:$0x150]  }
0x57: {  	v14 =	vld [tilespmem:$0x160];
	v15, _, _ =	vpop (xrf0)  }
0x58: {  	(xrf0) =	vadd.scan.msk.s32 $0xffff, v11;
	v11, _, _ =	vpop (xrf0)  }
0x59: {  	[tilespmem:$0x100] =	vst v10;
	v16 =	vbroadcast v15, $0xF;
	v17 =	vadd.s32 v15, v11  }
0x5a: {  	v27 =	vld [tilespmem:$0x170];
	[tilespmem:$0x110] =	vst v10;
	(xrf0) =	vadd.scan.msk.s32 $0xffff, v25;
	v28 =	vbroadcast v17, $0xF  }
0x5b: {  	[tilespmem:$0x120] =	vst v10;
	(xrf0) =	vadd.scan.msk.s32 $0xffff, v26;
	v18, _, _ =	vpop (xrf0);
	v11 =	vadd.s32 v16, v11  }
0x5c: {  	[tilespmem:$0x140] =	vst v10;
	(xrf0) =	vadd.scan.msk.s32 $0xffff, v14;
	vm3 =	vgt.s32 v11, $0x0;
	v11 =	vadd.s32 v28, v18  }
0x5d: {  	[tilespmem:$0x150] =	vst v10;
	v29 =	vadd.s32 v17, v18  }
0x5e: {  	[tilespmem:$0x160] =	vst v10;
	vm2 =	vgt.s32 v15, $0x0;
	v30 =	vbroadcast v29, $0xF  }
0x5f: {  	v15 =	vsel vm2, $0x3F800000, v10;
	v31 =	vsel vm3, $0x3F800000, v10;
	vm4 =	vgt.s32 v11, $0x0;
	v11, _, _ =	vpop (xrf0);
	(xrf0) =	vadd.scan.msk.s32 $0xffff, v27  }
0x60: {  	[tilespmem:$0x170] =	vst v10;
	v32 =	vsel vm4, $0x3F800000, v10;
	v13 =	vadd.s32 v30, v11;
	v11 =	vadd.s32 v29, v11;
	v33, _, _ =	vpop (xrf0)  }
0x61: {  	[tilespmem:$0x130] =	vst v10;
	vm5 =	vgt.s32 v13, $0x0;
	v34 =	vbroadcast v11, $0xF;
	v11 =	vadd.s32 v11, v33;
	v35, _, _ =	vpop (xrf0)  }
0x62: {  	[tilespmem:$0x180] =	vst v15;
	v36 =	vsel vm5, $0x3F800000, v10;
	v37 =	vbroadcast v11, $0xF;
	v11 =	vadd.s32 v11, v35;
	v19, _, _ =	vpop (xrf0)  }
0x63: {  	[tilespmem:$0x190] =	vst v31;
	v13 =	vadd.s32 v34, v33;
	v38 =	vbroadcast v11, $0xF;
	v11 =	vadd.s32 v11, v19  }
0x64: {  	[tilespmem:$0x1A0] =	vst v32;
	vm7 =	vgt.s32 v13, $0x0;
	v39 =	vadd.s32 v37, v35;
	v11 =	vbroadcast v11, $0xF  }
0x65: {  	[tilespmem:$0x1B0] =	vst v36;
	v13 =	vsel vm7, $0x3F800000, v10;
	vm8 =	vgt.s32 v39, $0x0;
	v40 =	vadd.s32 v38, v19;
	v41, _, _ =	vpop (xrf0)  }
0x66: {  	[tilespmem:$0x1C0] =	vst v13;
	v42 =	vsel vm8, $0x3F800000, v10;
	vm6 =	vgt.s32 v40, $0x0;
	v11 =	vadd.s32 v11, v41  }
0x67: {  	[tilespmem:$0x1D0] =	vst v42;
	v12 =	vsel vm6, $0x3F800000, v10;
	vm1 =	vgt.s32 v11, $0x0  }
0x68: {  	[tilespmem:$0x1E0] =	vst v12;
	v11 =	vsel vm1, $0x3F800000, v10  }
0x69: {  	[tilespmem:$0x1F0] =	vst v11  }
0x6a: {  	v11 =	vld.idx.msk [tilespmem:v6+s3+$0x0], $0xffff  }
0x6b: {  	v12 =	vld.idx.msk [tilespmem:v7+s3+$0x0], $0xffff;
	_ =	sdelay $0x3  }
0x6c: {  	v11 =	vmul.f32 $2.500000000e-01, v11  }
0x6d: {  	v12 =	vmul.f32 $2.500000000e-01, v12  }
0x6e: {  	v11 =	vtrunc.f32 v11  }
0x6f: {  	v12 =	vtrunc.f32 v12;
	v11 =	vcvt.f32.s32 v11  }
0x70: {  	v13 =	vld.idx.msk [tilespmem:v2+s3+$0x0], $0xffff;
	v12 =	vcvt.f32.s32 v12  }
0x71: {  	vm9 =	vgt.s32 v11, $0x0  }
0x72: {  	vm14 =	vgt.s32 v12, $0x0;
	v11 =	vnsel vm9, $0x0, v11  }
0x73: {  	v12 =	vnsel vm14, $0x0, v12;
	v11 =	vmin.u32 v11, $0x7F  }
0x74: {  	v12 =	vmin.u32 v12, $0x7F  }
0x75: {  	vm15 =	vlt.f32 v13, $0.0e+00;
	vm10 =	vgt.f32 v13, $0.0e+00  }
0x76: {  	vm9 =	vmor vm10, vm15  }
0x77: {  	v43 =	vsel vm9, $0x1, v10  }
0x78: {  	v44 =	vsel vm9, $0xFFFFFFFF, v10;
	[tilespmem:v11+s11+$0x0] =	vst.idx.add.s32.msk $0xffff, v43  }
0x79: {  	[tilespmem:v12+s11+$0x0] =	vst.idx.add.s32.msk $0xffff, v44  }
0x7a: {  	v11 =	vld.idx.msk [tilespmem:v8+s3+$0x0], $0xffff  }
0x7b: {  	v12 =	vld.idx.msk [tilespmem:v9+s3+$0x0], $0xffff;
	_ =	sdelay $0x3  }
0x7c: {  	v11 =	vmul.f32 $2.500000000e-01, v11  }
0x7d: {  	v12 =	vmul.f32 $2.500000000e-01, v12  }
0x7e: {  	v11 =	vtrunc.f32 v11  }
0x7f: {  	v13 =	vld.idx.msk [tilespmem:v5+s3+$0x0], $0xffff;
	v12 =	vtrunc.f32 v12;
	v11 =	vcvt.f32.s32 v11  }
0x80: {  	v12 =	vcvt.f32.s32 v12  }
0x81: {  	vm12 =	vgt.s32 v11, $0x0  }
0x82: {  	vm13 =	vgt.s32 v12, $0x0;
	v11 =	vnsel vm12, $0x0, v11  }
0x83: {  	v12 =	vnsel vm13, $0x0, v12;
	v11 =	vmin.u32 v11, $0x7F  }
0x84: {  	vm14 =	vlt.f32 v13, $0.0e+00;
	vm15 =	vgt.f32 v13, $0.0e+00;
	v12 =	vmin.u32 v12, $0x7F  }
0x85: {  	vm9 =	vmor vm15, vm14  }
0x86: {  	vm9 =	vmand vm9, vm0  }
0x87: {  	v45 =	vsel vm9, $0x1, v10  }
0x88: {  	v46 =	vsel vm9, $0xFFFFFFFF, v10;
	[tilespmem:v11+s11+$0x0] =	vst.idx.add.s32.msk $0xffff, v45  }
0x89: {  	[tilespmem:v12+s11+$0x0] =	vst.idx.add.s32.msk $0xffff, v46  }
0x8a: {  	v11 =	vld [tilespmem:$0x100];
	_ =	sdelay $0x1  }
0x8b: {  	v12 =	vld [tilespmem:$0x110];
	_ =	sdelay $0x2  }
0x8c: {  	(xrf0) =	vadd.scan.msk.s32 $0xffff, v11  }
0x8d: {  	v13 =	vld [tilespmem:$0x120]  }
0x8e: {  	v11 =	vld [tilespmem:$0x130];
	(xrf0) =	vadd.scan.msk.s32 $0xffff, v12;
	_ =	sdelay $0x1  }
0x8f: {  	v48 =	vsel vm2, $0x1, v10;
	v49 =	vsel vm3, $0x1, v10;
	v47 =	vld [tilespmem:$0x140]  }
0x90: {  	v14 =	vadd.s32 v48, v49;
	v51 =	vsel vm4, $0x1, v10;
	v50 =	vld [tilespmem:$0x150]  }
0x91: {  	v14 =	vadd.s32 v51, v14;
	v52 =	vsel vm5, $0x1, v10;
	(xrf0) =	vadd.scan.msk.s32 $0xffff, v13;
	v53, _, _ =	vpop (xrf0)  }
0x92: {  	v14 =	vadd.s32 v52, v14;
	v55 =	vsel vm7, $0x1, v10;
	v54 =	vld [tilespmem:$0x160];
	(xrf0) =	vadd.scan.msk.s32 $0xffff, v11;
	v56 =	vbroadcast v53, $0xF  }
0x93: {  	v14 =	vadd.s32 v55, v14;
	v11, _, _ =	vpop (xrf0)  }
0x94: {  	v57 =	vsel vm8, $0x1, v10;
	(xrf0) =	vadd.scan.msk.s32 $0xffff, v47;
	v58 =	vadd.s32 v53, v11;
	v11 =	vadd.s32 v56, v11  }
0x95: {  	v14 =	vadd.s32 v57, v14;
	v61 =	vsel vm6, $0x1, v10;
	v60 =	vld [tilespmem:$0x170];
	(xrf0) =	vadd.scan.msk.s32 $0xffff, v50  }
0x96: {  	v14 =	vadd.s32 v61, v14;
	vm3 =	vgt.s32 v53, $0x0;
	v59 =	vbroadcast v58, $0xF  }
0x97: {  	v32 =	vsel vm1, $0x1, v10;
	v16 =	vsel vm3, $0x1, v10;
	vm2 =	vgt.s32 v11, $0x0;
	v11, _, _ =	vpop (xrf0);
	(xrf0) =	vadd.scan.msk.s32 $0xffff, v54  }
0x98: {  	v62 =	vsel vm2, $0x1, v10;
	v15 =	vadd.s32 v59, v11;
	v11 =	vadd.s32 v58, v11;
	v20, _, _ =	vpop (xrf0)  }
0x99: {  	vm4 =	vgt.s32 v15, $0x0;
	v63 =	vbroadcast v11, $0xF;
	v11 =	vadd.s32 v11, v20  }
0x9a: {  	v12 =	vadd.s32 v16, v62;
	v22, _, _ =	vpop (xrf0);
	(xrf0) =	vadd.scan.msk.s32 $0xffff, v60;
	v21 =	vsel vm4, $0x1, v10;
	v24 =	vbroadcast v11, $0xF  }
0x9b: {  	v23, _, _ =	vpop (xrf0);
	v11 =	vadd.s32 v11, v22;
	v12 =	vadd.s32 v21, v12;
	v15 =	vadd.s32 v63, v20  }
0x9c: {  	v26 =	vbroadcast v11, $0xF;
	v11 =	vadd.s32 v11, v23;
	vm12 =	vgt.s32 v15, $0x0  }
0x9d: {  	v15 =	vadd.s32 v24, v22;
	v27 =	vbroadcast v11, $0xF;
	v25 =	vsel vm12, $0x1, v10;
	v28, _, _ =	vpop (xrf0)  }
0x9e: {  	vm13 =	vgt.s32 v15, $0x0;
	v13 =	vadd.s32 v26, v23;
	v11 =	vadd.s32 v11, v28  }
0x9f: {  	v12 =	vadd.s32 v25, v12;
	v30 =	vsel vm13, $0x1, v10;
	v11 =	vbroadcast v11, $0xF  }
0xa0: {  	v29 =	vadd.s32 v27, v28;
	vm14 =	vgt.s32 v13, $0x0;
	v12 =	vadd.s32 v30, v12;
	v31, _, _ =	vpop (xrf0)  }
0xa1: {  	vm15 =	vgt.s32 v29, $0x0;
	v33 =	vsel vm14, $0x1, v10;
	v11 =	vadd.s32 v11, v31  }
0xa2: {  	v12 =	vadd.s32 v33, v12;
	v34 =	vsel vm15, $0x1, v10;
	vm1 =	vgt.s32 v11, $0x0  }
0xa3: {  	v12 =	vadd.s32 v34, v12;
	v11 =	vadd.s32 v32, v14;
	v35 =	vsel vm1, $0x1, v10  }
0xa4: {  	(xrf0) =	vadd.scan.msk.s32 $0xffff, v11;
	v12 =	vadd.s32 v35, v12  }
0xa5: {  	(xrf0) =	vadd.scan.msk.s32 $0xffff, v12;
	_ =	sdelay $0x4  }
0xa6: {  	v11, _, _ =	vpop (xrf0)  }
0xa7: {  	v36 =	vsel vm3, $0x3F800000, v10;
	v37, _, _ =	vpop (xrf0)  }
0xa8: {  	[tilespmem:$0x280] =	vst v36;
	v38 =	vsel vm2, $0x3F800000, v10;
	v11 =	vmul.u32 v11, v37  }
0xa9: {  	[tilespmem:$0x290] =	vst v38;
	v39 =	vsel vm4, $0x3F800000, v10  }
0xaa: {  	[tilespmem:$0x2A0] =	vst v39;
	v40 =	vsel vm12, $0x3F800000, v10;
	v11 =	vshll.u32 v11, $0x1  }
0xab: {  	v41 =	vsel vm13, $0x3F800000, v10;
	[tilespmem:$0x2B0] =	vst v40;
	v11 =	vbroadcast v11, $0xF  }
0xac: {  	v42 =	vsel vm14, $0x3F800000, v10;
	[tilespmem:$0x2C0] =	vst v41  }
0xad: {  	[tilespmem:$0x2D0] =	vst v42;
	v43 =	vsel vm15, $0x3F800000, v10;
	v44 =	vcvt.s32.f32 v11  }
0xae: {  	[tilespmem:$0x2E0] =	vst v43;
	v45 =	vsel vm1, $0x3F800000, v10;
	vm1 =	vgt.s32 v11, $0x0  }
0xaf: {  	[tilespmem:$0x2F0] =	vst v45;
	v11 =	vnsel vm1, $0x3F800000, v44  }
0xb0: {  	[tilespmem:$0x700] =	vst v11  }
0xb1: {  	v11 =	vld [tilespmem:s12+$0x180];
	_ =	sdelay $0x4  }
0xb2: {  	(v2sf) =	vpush v11, $0x0  }
0xb3: {  	(v2sf) =	vpush v11, $0x1  }
0xb4: {  	(v2sf) =	vpush v11, $0x2  }
0xb5: {  	(v2sf) =	vpush v11, $0x3;
	_ =	sdelay $0x1  }
0xb6: {  	(v2sf) =	vpush v11, $0x4  }
0xb7: {  	(v2sf) =	vpush v11, $0x5;
	_ =	sdelay $0x1  }
0xb8: {  	(v2sf) =	vpush v11, $0x6  }
0xb9: {  	(v2sf) =	vpush v11, $0x7;
	_ =	sdelay $0x4  }
0xba: {  	v11 =	vld [tilespmem:$0x280]  }
0xbb: {  	s16 =	spop (v2sf)  }
0xbc: {  	p0 =	sgt.f32 s16, $0.0e+00;
	s18 =	spop (v2sf)  }
0xbd: {  	s19 =	spop (v2sf)  }
0xbe: {  	p1 =	sgt.f32 s18, $0.0e+00;
	s16 =	simm.s32 @!p0 $0x0;
	s20 =	spop (v2sf)  }
0xbf: {  	p2 =	sgt.f32 s19, $0.0e+00;
	v46 =	vpsel !p0, $0x0, v11;
	s16 =	simm.s32 @p0 $0x1;
	p0 =	sgt.f32 s20, $0.0e+00  }
0xc0: {  	s21 =	spop (v2sf);
	[smem:$0x7F9] =	sst s16  }
0xc1: {  	[tilespmem:$0x300] =	vst v46;
	v47 =	vpsel !p1, $0x0, v11;
	s16 =	simm.s32 @!p1 $0x0;
	p3 =	sgt.f32 s21, $0.0e+00;
	s22 =	spop (v2sf)  }
0xc2: {  	[tilespmem:$0x380] =	vst v47;
	v48 =	vpsel !p2, $0x0, v11;
	s16 =	simm.s32 @p1 $0x1;
	p4 =	sgt.f32 s22, $0.0e+00;
	s25 =	sld [smem:$0x7F9]  }
0xc3: {  	v50 =	vld [tilespmem:$0x290];
	s23 =	spop (v2sf);
	[tilespmem:$0x400] =	vst v48;
	v49 =	vpsel !p0, $0x0, v11;
	[smem:$0x7FA] =	sst s16  }
0xc4: {  	s16 =	simm.s32 @!p0 $0x0;
	p5 =	sgt.f32 s23, $0.0e+00;
	s24 =	spop (v2sf);
	[tilespmem:$0x480] =	vst v49;
	v51 =	vpsel !p3, $0x0, v11  }
0xc5: {  	s16 =	simm.s32 @p0 $0x1;
	[tilespmem:$0x500] =	vst v51;
	v52 =	vpsel !p4, $0x0, v11;
	p6 =	sgt.f32 s24, $0.0e+00;
	s26 =	sld [smem:$0x7FA]  }
0xc6: {  	[smem:$0x7F6] =	sst s16;
	[tilespmem:$0x580] =	vst v52;
	v53 =	vpsel !p5, $0x0, v11  }
0xc7: {  	p0 =	seq.s32 s25, $0x1;
	[tilespmem:$0x600] =	vst v53;
	v11 =	vpsel !p6, $0x0, v11;
	s28 =	sld [smem:$0x7F6]  }
0xc8: {  	s17 =	simm.s32 @!p2 $0x0;
	[tilespmem:$0x680] =	vst v11;
	v11 =	vpsel !p0, $0x0, v50;
	p1 =	seq.s32 s26, $0x1  }
0xc9: {  	s17 =	simm.s32 @p2 $0x1;
	[tilespmem:$0x310] =	vst v11;
	v11 =	vpsel !p1, $0x0, v50  }
0xca: {  	v59 =	vld [tilespmem:$0x2F0];
	[smem:$0x7F3] =	sst s17;
	[tilespmem:$0x390] =	vst v11;
	v11 =	vpsel !p2, $0x0, v50;
	p2 =	seq.s32 s28, $0x1  }
0xcb: {  	s29 =	sld [smem:$0x7F3];
	[tilespmem:$0x410] =	vst v11;
	v11 =	vpsel !p2, $0x0, v50  }
0xcc: {  	v54 =	vld [tilespmem:$0x2A0];
	[tilespmem:$0x490] =	vst v11;
	v11 =	vpsel !p3, $0x0, v50  }
0xcd: {  	s17 =	simm.s32 @!p4 $0x0;
	[tilespmem:$0x510] =	vst v11;
	v11 =	vpsel !p4, $0x0, v50  }
0xce: {  	s17 =	simm.s32 @p4 $0x1;
	s16 =	simm.s32 @!p5 $0x0;
	p4 =	seq.s32 s29, $0x1;
	[tilespmem:$0x590] =	vst v11;
	v11 =	vpsel !p5, $0x0, v50  }
0xcf: {  	[smem:$0x7F8] =	sst s17;
	s16 =	simm.s32 @p5 $0x1;
	v61 =	vpsel !p4, $0x0, v59;
	[tilespmem:$0x610] =	vst v11  }
0xd0: {  	[smem:$0x7F4] =	sst s16;
	v11 =	vpsel !p6, $0x0, v50;
	[tilespmem:$0x470] =	vst v61  }
0xd1: {  	s16 =	simm.s32 @!p6 $0x0;
	s30 =	sld [smem:$0x7F8];
	[tilespmem:$0x690] =	vst v11;
	v11 =	vpsel !p0, $0x0, v54  }
0xd2: {  	s16 =	simm.s32 @p6 $0x1;
	s31 =	sld [smem:$0x7F4];
	[tilespmem:$0x320] =	vst v11;
	v11 =	vpsel !p1, $0x0, v54  }
0xd3: {  	[smem:$0x7F5] =	sst s16;
	[tilespmem:$0x3A0] =	vst v11;
	v11 =	vpsel !p4, $0x0, v54  }
0xd4: {  	v55 =	vld [tilespmem:$0x2B0];
	s17 =	sld [smem:$0x7F5];
	[tilespmem:$0x420] =	vst v11;
	v11 =	vpsel !p2, $0x0, v54  }
0xd5: {  	s18 =	sld [smem:$0x7F9];
	p6 =	seq.s32 s30, $0x1;
	[tilespmem:$0x4A0] =	vst v11;
	v11 =	vpsel !p3, $0x0, v54  }
0xd6: {  	p0 =	seq.s32 s31, $0x1;
	[tilespmem:$0x520] =	vst v11;
	v11 =	vpsel !p6, $0x0, v54  }
0xd7: {  	[tilespmem:$0x5A0] =	vst v11;
	v11 =	vpsel !p0, $0x0, v54;
	p0 =	seq.s32 s17, $0x1  }
0xd8: {  	p5 =	por p2, p2;
	p2 =	seq.s32 s18, $0x1;
	[tilespmem:$0x620] =	vst v11;
	v11 =	vpsel !p0, $0x0, v54  }
0xd9: {  	[tilespmem:$0x6A0] =	vst v11;
	v11 =	vpsel !p2, $0x0, v55  }
0xda: {  	[tilespmem:$0x330] =	vst v11;
	v11 =	vpsel !p1, $0x0, v55  }
0xdb: {  	s19 =	sld [smem:$0x7F4];
	[tilespmem:$0x3B0] =	vst v11;
	v11 =	vpsel !p4, $0x0, v55  }
0xdc: {  	v56 =	vld [tilespmem:$0x2C0];
	s20 =	sld [smem:$0x7F5];
	[tilespmem:$0x430] =	vst v11;
	v11 =	vpsel !p5, $0x0, v55  }
0xdd: {  	[tilespmem:$0x4B0] =	vst v11;
	v11 =	vpsel !p3, $0x0, v55  }
0xde: {  	p5 =	seq.s32 s19, $0x1;
	[tilespmem:$0x530] =	vst v11;
	v11 =	vpsel !p6, $0x0, v55  }
0xdf: {  	p6 =	seq.s32 s20, $0x1;
	[tilespmem:$0x5B0] =	vst v11;
	v11 =	vpsel !p5, $0x0, v55  }
0xe0: {  	s21 =	sld [smem:$0x7F6];
	[tilespmem:$0x630] =	vst v11;
	v11 =	vpsel !p6, $0x0, v55  }
0xe1: {  	[tilespmem:$0x6B0] =	vst v11;
	v11 =	vpsel !p2, $0x0, v56  }
0xe2: {  	s22 =	sld [smem:$0x7F8];
	[tilespmem:$0x340] =	vst v11;
	v11 =	vpsel !p1, $0x0, v56  }
0xe3: {  	p1 =	seq.s32 s21, $0x1;
	[tilespmem:$0x3C0] =	vst v11;
	v11 =	vpsel !p4, $0x0, v56  }
0xe4: {  	v57 =	vld [tilespmem:$0x2D0];
	s16 =	simm.s32 @!p3 $0x0;
	[tilespmem:$0x440] =	vst v11;
	v11 =	vpsel !p1, $0x0, v56  }
0xe5: {  	s16 =	simm.s32 @p3 $0x1;
	[tilespmem:$0x4C0] =	vst v11;
	v11 =	vpsel !p3, $0x0, v56;
	p3 =	seq.s32 s22, $0x1  }
0xe6: {  	s23 =	sld [smem:$0x7FA];
	[tilespmem:$0x540] =	vst v11;
	v11 =	vpsel !p3, $0x0, v56  }
0xe7: {  	[tilespmem:$0x5C0] =	vst v11;
	v11 =	vpsel !p5, $0x0, v56  }
0xe8: {  	[smem:$0x7F7] =	sst s16;
	[tilespmem:$0x640] =	vst v11;
	v11 =	vpsel !p6, $0x0, v56  }
0xe9: {  	s24 =	sld [smem:$0x7F7];
	p0 =	seq.s32 s23, $0x1;
	[tilespmem:$0x6C0] =	vst v11;
	v11 =	vpsel !p2, $0x0, v57  }
0xea: {  	[tilespmem:$0x350] =	vst v11;
	v11 =	vpsel !p0, $0x0, v57  }
0xeb: {  	[tilespmem:$0x3D0] =	vst v11;
	v11 =	vpsel !p4, $0x0, v57  }
0xec: {  	v58 =	vld [tilespmem:$0x2E0];
	p2 =	seq.s32 s24, $0x1;
	[tilespmem:$0x450] =	vst v11;
	v11 =	vpsel !p1, $0x0, v57  }
0xed: {  	s25 =	sld [smem:$0x7F9];
	[tilespmem:$0x4D0] =	vst v11;
	v11 =	vpsel !p2, $0x0, v57  }
0xee: {  	[tilespmem:$0x550] =	vst v11;
	v11 =	vpsel !p3, $0x0, v57  }
0xef: {  	[tilespmem:$0x5D0] =	vst v11;
	v11 =	vpsel !p5, $0x0, v57  }
0xf0: {  	p3 =	seq.s32 s25, $0x1;
	[tilespmem:$0x650] =	vst v11;
	v11 =	vpsel !p6, $0x0, v57  }
0xf1: {  	s26 =	sld [smem:$0x7F7];
	[tilespmem:$0x6D0] =	vst v11;
	v11 =	vpsel !p3, $0x0, v58  }
0xf2: {  	s28 =	sld [smem:$0x7F8];
	[tilespmem:$0x360] =	vst v11;
	v11 =	vpsel !p0, $0x0, v58  }
0xf3: {  	[tilespmem:$0x3E0] =	vst v11;
	v11 =	vpsel !p4, $0x0, v58  }
0xf4: {  	s29 =	sld [smem:$0x7F9];
	p3 =	seq.s32 s26, $0x1;
	[tilespmem:$0x460] =	vst v11;
	v11 =	vpsel !p1, $0x0, v58  }
0xf5: {  	s30 =	sld [smem:$0x7FA];
	p0 =	seq.s32 s28, $0x1;
	[tilespmem:$0x4E0] =	vst v11;
	v11 =	vpsel !p3, $0x0, v58  }
0xf6: {  	[tilespmem:$0x560] =	vst v11;
	v11 =	vpsel !p0, $0x0, v58  }
0xf7: {  	p2 =	seq.s32 s29, $0x1;
	[tilespmem:$0x5E0] =	vst v11;
	v11 =	vpsel !p5, $0x0, v58  }
0xf8: {  	s31 =	sld [smem:$0x7FB];
	v60 =	vpsel !p2, $0x0, v59;
	p2 =	seq.s32 s30, $0x1;
	[tilespmem:$0x660] =	vst v11;
	v11 =	vpsel !p6, $0x0, v58  }
0xf9: {  	[tilespmem:$0x6E0] =	vst v11;
	v11 =	vpsel !p2, $0x0, v59  }
0xfa: {  	[tilespmem:$0x3F0] =	vst v11;
	v11 =	vpsel !p1, $0x0, v59  }
0xfb: {  	v63 =	vpsel !p5, $0x0, v59;
	[tilespmem:$0x4F0] =	vst v11;
	v11 =	vpsel !p0, $0x0, v59;
	p0 =	seq.s32 s31, $0x1  }
.Ltmp2:
0xfc: {  	[tilespmem:$0x670] =	vst v63;
	(pc) =	sbr.rel @!p0 .LBB2_2-.Ltmp2, $4  }
0xfd: {  	[tilespmem:$0x370] =	vst v60;
	v62 =	vpsel !p3, $0x0, v59  }
0xfe: {  	[tilespmem:$0x570] =	vst v62  }
0xff: {  	[tilespmem:$0x5F0] =	vst v11;
	v11 =	vpsel !p6, $0x0, v59  }
0x100: {  	[tilespmem:$0x6F0] =	vst v11  }
0x101: {  	[hbm4b:s7+s3] =	stream.linear.scatter [tilespmem:s13], [sflag:$0x2], $0x400, $0x38;
	[tilespmem:$0x780] =	vst v63  }
0x102: {  	_ =	swait.ge [sflag:s14], $0x400  }
0x103: {  	s17 =	sld [smem:$0x7FC];
	_ =	sdelay $0x2  }
0x104: {  	p0 =	seq.s32 s17, $0x1  }
.Ltmp3:
0x105: {  	_ = 	snop;
	(pc) =	sbr.rel @p0 .LBB2_5-.Ltmp3, $4  }
.Ltmp4:
0x106: {  	_ = 	snop;
	(pc) =	sbr.rel @!p0 .LBB2_4-.Ltmp4, $4  }
0x107: {  	_ = 	snop  }
0x108: {  	[sflag:s14] =	ssyncset.done $0x0  }
0x109: {  	s16 =	smov.u32 s2;
	[sflag:s14] =	ssyncadd.s32 $0xFFFFFC00  }
0x10a: {  	_ = 	snop  }
.LBB2_2:
0x10b: {  	[hbm4b:s6+s3] =	stream.linear.scatter [tilespmem:s13], [sflag:$0x2], $0x400, $0x38;
	[tilespmem:$0x780] =	vst v63  }
0x10c: {  	_ =	swait.ge [sflag:s14], $0x400  }
0x10d: {  	s17 =	sld [smem:$0x7FD];
	_ =	sdelay $0x2  }
0x10e: {  	p0 =	seq.s32 s17, $0x1  }
.Ltmp5:
0x10f: {  	_ = 	snop;
	(pc) =	sbr.rel @!p0 .LBB2_5-.Ltmp5, $4  }
.Ltmp6:
0x110: {  	_ = 	snop;
	(pc) =	sbr.rel @p0 .LBB2_4-.Ltmp6, $4  }
0x111: {  	_ = 	snop  }
0x112: {  	[sflag:s14] =	ssyncset.done $0x0  }
0x113: {  	s16 =	smov.u32 s1;
	[sflag:s14] =	ssyncadd.s32 $0xFFFFFC00  }
0x114: {  	_ = 	snop  }
.LBB2_6:
0x115: {  	_ =	sfence.sel $0x180000  }
0x116: {  	[bflag:$0x0] =	sbarrier.arrive $0xFFFF  }
0x117: {  	_ =	strace $0x90000047  }
0x118: {  	[bflag:$0x2] =	sbarrier.arrive $0xFFFF  }
0x119: {  	s1 =	sld [smem:$0x7FC];
	_ =	sdelay $0x2  }
0x11a: {  	p0 =	seq.s32 s1, $0x1  }
0x11b: {  	s0 =	sadd.s32 @!p0 $0x100000, s0  }
0x11c: {  	[sflag:s0] =	ssyncadd.tile.s32 @!p0 $0x1;
	_ =	shalt  }
.Lfunc_end2:
_tile_overlayer_lowered:
.L_overlay_start_2:
0x11d: {  	(tag) =	ssettag $0x2  }
0x11e: {  	s0 =	rddreg [dreg:$0x0];
	s2 =	stileid.u32  }
0x11f: {  	s1 =	rddreg [dreg:$0x1];
	p0 =	sne.s32 s2, $0x0  }
0x120: {  	s3 =	rddreg [dreg:$0x2];
	[bflag:$0x3] =	sbarrier.arrive $0xFFFF;
	s2 =	simm.s32 @!p0 $0x1C02  }
0x121: {  	[timem:s3], [sflag:s2] =	dma.local @!p0 [hbm:s0], s1  }
0x122: {  	s0 =	simm.s32 @!p0 $0x2  }
0x123: {  	_ =	swait.ge @!p0 [sflag:s0], s1  }
0x124: {  	s1 =	ssub.s32 @!p0 $0x0, s1;
	[sflag:s0] =	ssyncset.done @!p0 $0x0  }
0x125: {  	[sflag:s0] =	ssyncadd.s32 @!p0 s1  }
0x126: {  	[bflag:$0x3] =	sbarrier.arrive $0xFFFF  }
0x127: {  	_ =	shalt  }

</sc_bundles>
